<compile_context>
chip_gen: v7x
topology: tpu7x:2x2x1
jax: 0.10.2.dev20260603
libtpu: 0.0.44.dev20260713+nightly
codegen_flags: <defaults>
</compile_context>

<pallas_src>
import jax
import jax.numpy as jnp
from jax import lax
from jax.experimental import pallas as pl
from jax.experimental.pallas import tpu as pltpu, tpu_sc as plsc

B = 16384
D = 128
DIM = 2 * D
N_SYN = 512
N_SEM = 1024
CTX_GATE_STRENGTH = 2.0
COMMITMENT_COST = 0.25

BLOCK_B = 2048


def _vq_block(zb, zsq, cwT, b, csq, k):
    p = jax.lax.dot_general(zb, cwT, (((1,), (0,)), ((), ())),
                            preferred_element_type=jnp.float32)
    zc = p[:, :k]
    d = (zsq + csq) - 2.0 * zc
    logits = p[:, k:] + b
    m = jnp.max(logits, axis=1, keepdims=True)
    e = jnp.exp(logits - m)
    bias = CTX_GATE_STRENGTH * (e / jnp.sum(e, axis=1, keepdims=True))
    dtot = d - bias
    dmin = jnp.min(dtot, axis=1, keepdims=True)
    lane = jax.lax.broadcasted_iota(jnp.int32, dtot.shape, 1)
    idx = jnp.min(jnp.where(dtot == dmin, lane, k), axis=1)
    bias_at = jnp.sum(jnp.where(lane == idx[:, None], bias, 0.0), axis=1)
    loss_part = jnp.sum(dmin[:, 0] + bias_at)
    return idx, loss_part


def _tc_kernel(zfr_ref, zfi_ref, zsr_ref, zsi_ref, zfsq_ref, zssq_ref,
               cwT_syn_ref, b_syn_ref, csq_syn_ref,
               cwT_sem_ref, b_sem_ref, csq_sem_ref,
               idx_syn_ref, idx_sem_ref, loss_ref):
    zf = jnp.concatenate([zfr_ref[...], zfi_ref[...]], axis=1)
    zs = jnp.concatenate([zsr_ref[...], zsi_ref[...]], axis=1)
    i_syn, l_syn = _vq_block(zf.astype(jnp.bfloat16), zfsq_ref[...],
                             cwT_syn_ref[...], b_syn_ref[...],
                             csq_syn_ref[...], N_SYN)
    i_sem, l_sem = _vq_block(zs.astype(jnp.bfloat16), zssq_ref[...],
                             cwT_sem_ref[...], b_sem_ref[...],
                             csq_sem_ref[...], N_SEM)
    idx_syn_ref[...] = i_syn[:, None]
    idx_sem_ref[...] = i_sem[:, None]

    @pl.when(pl.program_id(0) == 0)
    def _init():
        loss_ref[...] = jnp.zeros_like(loss_ref)

    loss_ref[...] += l_syn + l_sem


_SC_CHUNK = 256


def _sc_gather(tab_re_hbm, tab_im_hbm, idx_hbm, out_re_hbm, out_im_hbm,
               idx_v, rows_re_v, rows_im_v, sem_re, sem_im):
    info = plsc.get_sparse_core_info()
    nw = info.num_cores * info.num_subcores
    wid = lax.axis_index("s") * info.num_cores + lax.axis_index("c")
    per_w = B // nw
    base = wid * per_w
    nchunks = per_w // _SC_CHUNK
    for c in range(nchunks):
        off = base + c * _SC_CHUNK
        sl = pl.ds(off, _SC_CHUNK)
        pltpu.sync_copy(idx_hbm.at[sl], idx_v)
        cp_re = pltpu.async_copy(tab_re_hbm.at[idx_v], rows_re_v, sem_re)
        cp_im = pltpu.async_copy(tab_im_hbm.at[idx_v], rows_im_v, sem_im)
        cp_re.wait()
        pltpu.sync_copy(rows_re_v, out_re_hbm.at[sl])
        cp_im.wait()
        pltpu.sync_copy(rows_im_v, out_im_hbm.at[sl])


def kernel(z_fast_real, z_fast_imag, z_slow_real, z_slow_imag,
           cb_syn, cb_sem, W_ctx_syn, b_ctx_syn, W_ctx_sem, b_ctx_sem):
    cwT_syn = jnp.concatenate([cb_syn.T, W_ctx_syn.T], axis=1).astype(jnp.bfloat16)
    cwT_sem = jnp.concatenate([cb_sem.T, W_ctx_sem.T], axis=1).astype(jnp.bfloat16)
    csq_syn = jnp.sum(cb_syn ** 2, axis=1)[None, :]
    csq_sem = jnp.sum(cb_sem ** 2, axis=1)[None, :]
    zfsq = jnp.sum(jnp.concatenate([z_fast_real, z_fast_imag], axis=1) ** 2,
                   axis=1, keepdims=True)
    zssq = jnp.sum(jnp.concatenate([z_slow_real, z_slow_imag], axis=1) ** 2,
                   axis=1, keepdims=True)
    b_syn = b_ctx_syn[None, :]
    b_sem = b_ctx_sem[None, :]

    nb = B // BLOCK_B
    half_spec = pl.BlockSpec((BLOCK_B, D), lambda i: (i, 0))
    sq_spec = pl.BlockSpec((BLOCK_B, 1), lambda i: (i, 0))
    full = lambda shape: pl.BlockSpec(shape, lambda i: (0,) * len(shape))

    idx_syn, idx_sem, loss_acc = pl.pallas_call(
        _tc_kernel,
        grid=(nb,),
        in_specs=[
            half_spec, half_spec, half_spec, half_spec, sq_spec, sq_spec,
            full((DIM, 2 * N_SYN)), full((1, N_SYN)), full((1, N_SYN)),
            full((DIM, 2 * N_SEM)), full((1, N_SEM)), full((1, N_SEM)),
        ],
        out_specs=(
            sq_spec,
            sq_spec,
            pl.BlockSpec((1, 1), lambda i: (0, 0)),
        ),
        out_shape=(
            jax.ShapeDtypeStruct((B, 1), jnp.int32),
            jax.ShapeDtypeStruct((B, 1), jnp.int32),
            jax.ShapeDtypeStruct((1, 1), jnp.float32),
        ),
    )(z_fast_real, z_fast_imag, z_slow_real, z_slow_imag, zfsq, zssq,
      cwT_syn, b_syn, csq_syn,
      cwT_sem, b_sem, csq_sem)

    mesh = plsc.VectorSubcoreMesh(core_axis_name="c", subcore_axis_name="s")
    gather = pl.kernel(
        _sc_gather, mesh=mesh,
        out_type=(
            jax.ShapeDtypeStruct((B, D), jnp.float32),
            jax.ShapeDtypeStruct((B, D), jnp.float32),
        ),
        scratch_types=[
            pltpu.VMEM((_SC_CHUNK,), jnp.int32),
            pltpu.VMEM((_SC_CHUNK, D), jnp.float32),
            pltpu.VMEM((_SC_CHUNK, D), jnp.float32),
            pltpu.SemaphoreType.DMA,
            pltpu.SemaphoreType.DMA,
        ],
    )
    qfr, qfi = gather(cb_syn[:, :D], cb_syn[:, D:], idx_syn.reshape(B))
    qsr, qsi = gather(cb_sem[:, :D], cb_sem[:, D:], idx_sem.reshape(B))

    zq_syn = jax.lax.complex(qfr, qfi)
    zq_sem = jax.lax.complex(qsr, qsi)
    loss = loss_acc[0, 0] * ((1.0 + COMMITMENT_COST) / (B * DIM))
    return (zq_syn, zq_sem, loss, idx_syn[:, 0], idx_sem[:, 0])

# --- scband reference (transcript-rebuilt; emitter-appended) ---
"""Pipeline reference for scband-bi-cameral-crsn-24902220382469 (READ-ONLY COPY).

The authoritative reference and input builder live on the scoring server;
editing this copy changes nothing except your own understanding.
"""

import jax, jax.numpy as jnp
import numpy as np

B = 16384
D = 128          # latent_dim (complex)
DIM = 2 * D      # flattened real||imag dim
N_SYN = 512
N_SEM = 1024
GRAPH_BIAS_SCALE = 0.8
CTX_GATE_STRENGTH = 2.0
COMMITMENT_COST = 0.25


def setup_inputs(seed: int = 0) -> dict:
    key = jax.random.key(seed)
    ks = jax.random.split(key, 10)
    return {
        "z_fast_real": jax.random.normal(ks[0], (B, D), dtype=jnp.float32),
        "z_fast_imag": jax.random.normal(ks[1], (B, D), dtype=jnp.float32),
        "z_slow_real": jax.random.normal(ks[2], (B, D), dtype=jnp.float32),
        "z_slow_imag": jax.random.normal(ks[3], (B, D), dtype=jnp.float32),
        # learned parameters per init_kwargs
        "cb_syn": jax.random.normal(ks[4], (N_SYN, DIM), dtype=jnp.float32),
        "cb_sem": jax.random.normal(ks[5], (N_SEM, DIM), dtype=jnp.float32),
        "W_ctx_syn": jax.random.normal(ks[6], (N_SYN, DIM), dtype=jnp.float32) * 0.05,
        "b_ctx_syn": jnp.zeros((N_SYN,), dtype=jnp.float32),
        "W_ctx_sem": jax.random.normal(ks[7], (N_SEM, DIM), dtype=jnp.float32) * 0.05,
        "b_ctx_sem": jnp.zeros((N_SEM,), dtype=jnp.float32),
    }


def _vq_step(z_flat, codebook, W_ctx, b_ctx):
    # squared euclidean distances to every code: [B, K]
    d = (jnp.sum(z_flat ** 2, axis=1, keepdims=True)
         + jnp.sum(codebook ** 2, axis=1)
         - 2.0 * jnp.matmul(z_flat, codebook.T))
    # prev_indices is None in this eval path -> bias_history = 0
    ctx_logits = jnp.matmul(z_flat, W_ctx.T) + b_ctx
    bias_context = jax.nn.softmax(ctx_logits, axis=-1)
    total_bias = CTX_GATE_STRENGTH * bias_context  # + GRAPH_BIAS_SCALE * 0
    d = d - total_bias
    idx = jnp.argmin(d, axis=1)
    z_q = jnp.take(codebook, idx, axis=0)
    loss = (jnp.mean((jax.lax.stop_gradient(z_q) - z_flat) ** 2)
            + COMMITMENT_COST * jnp.mean((z_q - jax.lax.stop_gradient(z_flat)) ** 2))
    # straight-through estimator
    z_q_st = z_flat + jax.lax.stop_gradient(z_q - z_flat)
    return z_q_st, loss, idx


def reference(z_fast_real, z_fast_imag, z_slow_real, z_slow_imag,
              cb_syn, cb_sem, W_ctx_syn, b_ctx_syn, W_ctx_sem, b_ctx_sem):
    zf_flat = jnp.concatenate([z_fast_real, z_fast_imag], axis=-1)
    zs_flat = jnp.concatenate([z_slow_real, z_slow_imag], axis=-1)
    q_syn, loss_syn, idx_syn = _vq_step(zf_flat, cb_syn, W_ctx_syn, b_ctx_syn)
    q_sem, loss_sem, idx_sem = _vq_step(zs_flat, cb_sem, W_ctx_sem, b_ctx_sem)
    zq_syn = jax.lax.complex(q_syn[:, :D], q_syn[:, D:])
    zq_sem = jax.lax.complex(q_sem[:, :D], q_sem[:, D:])
    return (zq_syn, zq_sem, loss_syn + loss_sem, idx_syn, idx_sem)

if __name__ == "__main__":
    import jax
    _d = setup_inputs()
    print(jax.jit(kernel)(*tuple(_d.values())))

</pallas_src>

<mosaic_0001>
#map = affine_map<(d0, d1) -> (0, 0)>
#map1 = affine_map<(d0, d1) -> (0)>
module attributes {stable_mosaic.version = 14 : i64} {
  func.func @_sc_gather(%arg0: i32, %arg1: i32, %arg2: memref<1024x128xf32, #tpu.memory_space<hbm>>, %arg3: memref<1024x128xf32, #tpu.memory_space<hbm>>, %arg4: memref<16384xi32, #tpu.memory_space<hbm>>, %arg5: memref<16384x128xf32, #tpu.memory_space<hbm>>, %arg6: memref<16384x128xf32, #tpu.memory_space<hbm>>, %arg7: memref<256xi32, #tpu.memory_space<vmem>>, %arg8: memref<256x128xf32, #tpu.memory_space<vmem>>, %arg9: memref<256x128xf32, #tpu.memory_space<vmem>>, %arg10: memref<!tpu.dma_semaphore, #tpu.memory_space<semaphore_mem>>, %arg11: memref<!tpu.dma_semaphore, #tpu.memory_space<semaphore_mem>>) attributes {dimension_semantics = [#tpu.dimension_semantics<core_parallel>, #tpu.dimension_semantics<subcore_parallel>], iteration_bounds = array<i64: 2, 16>, scalar_prefetch = 0 : i64, scratch_operands = 5 : i64, tpu.core_type = #tpu.core_type<sc_vector_subcore>, window_params = [{transform_indices = #map}, {transform_indices = #map}, {transform_indices = #map1}, {transform_indices = #map}, {transform_indices = #map}]} {
    %mul3A = arith.constant 2 : i32
    %mul3A_0 = arith.muli %arg1, %mul3A : i32
    %add3A = arith.addi %mul3A_0, %arg0 : i32
    %mul3A_1 = arith.constant 512 : i32
    %mul3A_2 = arith.muli %add3A, %mul3A_1 : i32
    %add3A_3 = arith.constant 0 : i32
    %add3A_4 = arith.addi %mul3A_2, %add3A_3 : i32
    "tpu.region"() ({
      %run_scoped3A = tpu.sem_alloc : memref<!tpu.dma_semaphore, #tpu.memory_space<semaphore_mem>>
      %dma_start3A_29 = tpu.memref_slice %arg4[%add3A_4] : memref<16384xi32, #tpu.memory_space<hbm>> -> memref<256xi32, #tpu.memory_space<hbm>>
      %dma_start3A_30 = tpu.memref_slice %arg4[%add3A_4] : memref<16384xi32, #tpu.memory_space<hbm>> -> memref<256xi32, #tpu.memory_space<hbm>>
      tpu.enqueue_dma source(%dma_start3A_30 : memref<256xi32, #tpu.memory_space<hbm>>) target(%arg7 : memref<256xi32, #tpu.memory_space<vmem>>) target_semaphore(%run_scoped3A : memref<!tpu.dma_semaphore, #tpu.memory_space<semaphore_mem>>)
      %dma_wait3A_31 = tpu.memref_slice %arg4[%add3A_4] : memref<16384xi32, #tpu.memory_space<hbm>> -> memref<256xi32, #tpu.memory_space<hbm>>
      %dma_wait3A_32 = tpu.memref_slice %arg4[%add3A_4] : memref<16384xi32, #tpu.memory_space<hbm>> -> memref<256xi32, #tpu.memory_space<hbm>>
      tpu.wait_dma2 semaphore(%run_scoped3A : memref<!tpu.dma_semaphore, #tpu.memory_space<semaphore_mem>>) src(%dma_wait3A_32 : memref<256xi32, #tpu.memory_space<hbm>>) dst(%arg7 : memref<256xi32, #tpu.memory_space<vmem>>)
      tpu.yield
    }) : () -> ()
    %dma_start3A = arith.constant 0 : i32
    %dma_start3A_5 = arith.constant 0 : i32
    %dma_start3A_6 = tpu.memref_slice %arg2[%dma_start3A, %dma_start3A_5] : memref<1024x128xf32, #tpu.memory_space<hbm>> -> memref<1024x128xf32, #tpu.memory_space<hbm>>
    tpu.enqueue_indirect_dma source(%dma_start3A_6 : memref<1024x128xf32, #tpu.memory_space<hbm>>) target(%arg8 : memref<256x128xf32, #tpu.memory_space<vmem>>) offsets(%arg7 : memref<256xi32, #tpu.memory_space<vmem>>) semaphore(%arg10 : memref<!tpu.dma_semaphore, #tpu.memory_space<semaphore_mem>>)
    %dma_start3A_7 = arith.constant 0 : i32
    %dma_start3A_8 = arith.constant 0 : i32
    %dma_start3A_9 = tpu.memref_slice %arg3[%dma_start3A_7, %dma_start3A_8] : memref<1024x128xf32, #tpu.memory_space<hbm>> -> memref<1024x128xf32, #tpu.memory_space<hbm>>
    tpu.enqueue_indirect_dma source(%dma_start3A_9 : memref<1024x128xf32, #tpu.memory_space<hbm>>) target(%arg9 : memref<256x128xf32, #tpu.memory_space<vmem>>) offsets(%arg7 : memref<256xi32, #tpu.memory_space<vmem>>) semaphore(%arg11 : memref<!tpu.dma_semaphore, #tpu.memory_space<semaphore_mem>>)
    %dma_wait3A = arith.constant 0 : i32
    %dma_wait3A_10 = arith.constant 0 : i32
    %dma_wait3A_11 = tpu.memref_slice %arg2[%dma_wait3A, %dma_wait3A_10] : memref<1024x128xf32, #tpu.memory_space<hbm>> -> memref<1024x128xf32, #tpu.memory_space<hbm>>
    tpu.wait_indirect_dma semaphore(%arg10 : memref<!tpu.dma_semaphore, #tpu.memory_space<semaphore_mem>>) src(%dma_wait3A_11 : memref<1024x128xf32, #tpu.memory_space<hbm>>) dst(%arg8 : memref<256x128xf32, #tpu.memory_space<vmem>>)
    "tpu.region"() ({
      %run_scoped3A = tpu.sem_alloc : memref<!tpu.dma_semaphore, #tpu.memory_space<semaphore_mem>>
      %dma_start3A_29 = arith.constant 0 : i32
      %dma_start3A_30 = tpu.memref_slice %arg5[%add3A_4, %dma_start3A_29] : memref<16384x128xf32, #tpu.memory_space<hbm>> -> memref<256x128xf32, #tpu.memory_space<hbm>>
      %dma_start3A_31 = arith.constant 0 : i32
      %dma_start3A_32 = tpu.memref_slice %arg5[%add3A_4, %dma_start3A_31] : memref<16384x128xf32, #tpu.memory_space<hbm>> -> memref<256x128xf32, #tpu.memory_space<hbm>>
      tpu.enqueue_dma source(%arg8 : memref<256x128xf32, #tpu.memory_space<vmem>>) target(%dma_start3A_32 : memref<256x128xf32, #tpu.memory_space<hbm>>) target_semaphore(%run_scoped3A : memref<!tpu.dma_semaphore, #tpu.memory_space<semaphore_mem>>)
      %dma_wait3A_33 = arith.constant 0 : i32
      %dma_wait3A_34 = tpu.memref_slice %arg5[%add3A_4, %dma_wait3A_33] : memref<16384x128xf32, #tpu.memory_space<hbm>> -> memref<256x128xf32, #tpu.memory_space<hbm>>
      %dma_wait3A_35 = arith.constant 0 : i32
      %dma_wait3A_36 = tpu.memref_slice %arg5[%add3A_4, %dma_wait3A_35] : memref<16384x128xf32, #tpu.memory_space<hbm>> -> memref<256x128xf32, #tpu.memory_space<hbm>>
      tpu.wait_dma2 semaphore(%run_scoped3A : memref<!tpu.dma_semaphore, #tpu.memory_space<semaphore_mem>>) src(%arg8 : memref<256x128xf32, #tpu.memory_space<vmem>>) dst(%dma_wait3A_36 : memref<256x128xf32, #tpu.memory_space<hbm>>)
      tpu.yield
    }) : () -> ()
    %dma_wait3A_12 = arith.constant 0 : i32
    %dma_wait3A_13 = arith.constant 0 : i32
    %dma_wait3A_14 = tpu.memref_slice %arg3[%dma_wait3A_12, %dma_wait3A_13] : memref<1024x128xf32, #tpu.memory_space<hbm>> -> memref<1024x128xf32, #tpu.memory_space<hbm>>
    tpu.wait_indirect_dma semaphore(%arg11 : memref<!tpu.dma_semaphore, #tpu.memory_space<semaphore_mem>>) src(%dma_wait3A_14 : memref<1024x128xf32, #tpu.memory_space<hbm>>) dst(%arg9 : memref<256x128xf32, #tpu.memory_space<vmem>>)
    "tpu.region"() ({
      %run_scoped3A = tpu.sem_alloc : memref<!tpu.dma_semaphore, #tpu.memory_space<semaphore_mem>>
      %dma_start3A_29 = arith.constant 0 : i32
      %dma_start3A_30 = tpu.memref_slice %arg6[%add3A_4, %dma_start3A_29] : memref<16384x128xf32, #tpu.memory_space<hbm>> -> memref<256x128xf32, #tpu.memory_space<hbm>>
      %dma_start3A_31 = arith.constant 0 : i32
      %dma_start3A_32 = tpu.memref_slice %arg6[%add3A_4, %dma_start3A_31] : memref<16384x128xf32, #tpu.memory_space<hbm>> -> memref<256x128xf32, #tpu.memory_space<hbm>>
      tpu.enqueue_dma source(%arg9 : memref<256x128xf32, #tpu.memory_space<vmem>>) target(%dma_start3A_32 : memref<256x128xf32, #tpu.memory_space<hbm>>) target_semaphore(%run_scoped3A : memref<!tpu.dma_semaphore, #tpu.memory_space<semaphore_mem>>)
      %dma_wait3A_33 = arith.constant 0 : i32
      %dma_wait3A_34 = tpu.memref_slice %arg6[%add3A_4, %dma_wait3A_33] : memref<16384x128xf32, #tpu.memory_space<hbm>> -> memref<256x128xf32, #tpu.memory_space<hbm>>
      %dma_wait3A_35 = arith.constant 0 : i32
      %dma_wait3A_36 = tpu.memref_slice %arg6[%add3A_4, %dma_wait3A_35] : memref<16384x128xf32, #tpu.memory_space<hbm>> -> memref<256x128xf32, #tpu.memory_space<hbm>>
      tpu.wait_dma2 semaphore(%run_scoped3A : memref<!tpu.dma_semaphore, #tpu.memory_space<semaphore_mem>>) src(%arg9 : memref<256x128xf32, #tpu.memory_space<vmem>>) dst(%dma_wait3A_36 : memref<256x128xf32, #tpu.memory_space<hbm>>)
      tpu.yield
    }) : () -> ()
    %add3A_15 = arith.constant 256 : i32
    %add3A_16 = arith.addi %mul3A_2, %add3A_15 : i32
    "tpu.region"() ({
      %run_scoped3A = tpu.sem_alloc : memref<!tpu.dma_semaphore, #tpu.memory_space<semaphore_mem>>
      %dma_start3A_29 = tpu.memref_slice %arg4[%add3A_16] : memref<16384xi32, #tpu.memory_space<hbm>> -> memref<256xi32, #tpu.memory_space<hbm>>
      %dma_start3A_30 = tpu.memref_slice %arg4[%add3A_16] : memref<16384xi32, #tpu.memory_space<hbm>> -> memref<256xi32, #tpu.memory_space<hbm>>
      tpu.enqueue_dma source(%dma_start3A_30 : memref<256xi32, #tpu.memory_space<hbm>>) target(%arg7 : memref<256xi32, #tpu.memory_space<vmem>>) target_semaphore(%run_scoped3A : memref<!tpu.dma_semaphore, #tpu.memory_space<semaphore_mem>>)
      %dma_wait3A_31 = tpu.memref_slice %arg4[%add3A_16] : memref<16384xi32, #tpu.memory_space<hbm>> -> memref<256xi32, #tpu.memory_space<hbm>>
      %dma_wait3A_32 = tpu.memref_slice %arg4[%add3A_16] : memref<16384xi32, #tpu.memory_space<hbm>> -> memref<256xi32, #tpu.memory_space<hbm>>
      tpu.wait_dma2 semaphore(%run_scoped3A : memref<!tpu.dma_semaphore, #tpu.memory_space<semaphore_mem>>) src(%dma_wait3A_32 : memref<256xi32, #tpu.memory_space<hbm>>) dst(%arg7 : memref<256xi32, #tpu.memory_space<vmem>>)
      tpu.yield
    }) : () -> ()
    %dma_start3A_17 = arith.constant 0 : i32
    %dma_start3A_18 = arith.constant 0 : i32
    %dma_start3A_19 = tpu.memref_slice %arg2[%dma_start3A_17, %dma_start3A_18] : memref<1024x128xf32, #tpu.memory_space<hbm>> -> memref<1024x128xf32, #tpu.memory_space<hbm>>
    tpu.enqueue_indirect_dma source(%dma_start3A_19 : memref<1024x128xf32, #tpu.memory_space<hbm>>) target(%arg8 : memref<256x128xf32, #tpu.memory_space<vmem>>) offsets(%arg7 : memref<256xi32, #tpu.memory_space<vmem>>) semaphore(%arg10 : memref<!tpu.dma_semaphore, #tpu.memory_space<semaphore_mem>>)
    %dma_start3A_20 = arith.constant 0 : i32
    %dma_start3A_21 = arith.constant 0 : i32
    %dma_start3A_22 = tpu.memref_slice %arg3[%dma_start3A_20, %dma_start3A_21] : memref<1024x128xf32, #tpu.memory_space<hbm>> -> memref<1024x128xf32, #tpu.memory_space<hbm>>
    tpu.enqueue_indirect_dma source(%dma_start3A_22 : memref<1024x128xf32, #tpu.memory_space<hbm>>) target(%arg9 : memref<256x128xf32, #tpu.memory_space<vmem>>) offsets(%arg7 : memref<256xi32, #tpu.memory_space<vmem>>) semaphore(%arg11 : memref<!tpu.dma_semaphore, #tpu.memory_space<semaphore_mem>>)
    %dma_wait3A_23 = arith.constant 0 : i32
    %dma_wait3A_24 = arith.constant 0 : i32
    %dma_wait3A_25 = tpu.memref_slice %arg2[%dma_wait3A_23, %dma_wait3A_24] : memref<1024x128xf32, #tpu.memory_space<hbm>> -> memref<1024x128xf32, #tpu.memory_space<hbm>>
    tpu.wait_indirect_dma semaphore(%arg10 : memref<!tpu.dma_semaphore, #tpu.memory_space<semaphore_mem>>) src(%dma_wait3A_25 : memref<1024x128xf32, #tpu.memory_space<hbm>>) dst(%arg8 : memref<256x128xf32, #tpu.memory_space<vmem>>)
    "tpu.region"() ({
      %run_scoped3A = tpu.sem_alloc : memref<!tpu.dma_semaphore, #tpu.memory_space<semaphore_mem>>
      %dma_start3A_29 = arith.constant 0 : i32
      %dma_start3A_30 = tpu.memref_slice %arg5[%add3A_16, %dma_start3A_29] : memref<16384x128xf32, #tpu.memory_space<hbm>> -> memref<256x128xf32, #tpu.memory_space<hbm>>
      %dma_start3A_31 = arith.constant 0 : i32
      %dma_start3A_32 = tpu.memref_slice %arg5[%add3A_16, %dma_start3A_31] : memref<16384x128xf32, #tpu.memory_space<hbm>> -> memref<256x128xf32, #tpu.memory_space<hbm>>
      tpu.enqueue_dma source(%arg8 : memref<256x128xf32, #tpu.memory_space<vmem>>) target(%dma_start3A_32 : memref<256x128xf32, #tpu.memory_space<hbm>>) target_semaphore(%run_scoped3A : memref<!tpu.dma_semaphore, #tpu.memory_space<semaphore_mem>>)
      %dma_wait3A_33 = arith.constant 0 : i32
      %dma_wait3A_34 = tpu.memref_slice %arg5[%add3A_16, %dma_wait3A_33] : memref<16384x128xf32, #tpu.memory_space<hbm>> -> memref<256x128xf32, #tpu.memory_space<hbm>>
      %dma_wait3A_35 = arith.constant 0 : i32
      %dma_wait3A_36 = tpu.memref_slice %arg5[%add3A_16, %dma_wait3A_35] : memref<16384x128xf32, #tpu.memory_space<hbm>> -> memref<256x128xf32, #tpu.memory_space<hbm>>
      tpu.wait_dma2 semaphore(%run_scoped3A : memref<!tpu.dma_semaphore, #tpu.memory_space<semaphore_mem>>) src(%arg8 : memref<256x128xf32, #tpu.memory_space<vmem>>) dst(%dma_wait3A_36 : memref<256x128xf32, #tpu.memory_space<hbm>>)
      tpu.yield
    }) : () -> ()
    %dma_wait3A_26 = arith.constant 0 : i32
    %dma_wait3A_27 = arith.constant 0 : i32
    %dma_wait3A_28 = tpu.memref_slice %arg3[%dma_wait3A_26, %dma_wait3A_27] : memref<1024x128xf32, #tpu.memory_space<hbm>> -> memref<1024x128xf32, #tpu.memory_space<hbm>>
    tpu.wait_indirect_dma semaphore(%arg11 : memref<!tpu.dma_semaphore, #tpu.memory_space<semaphore_mem>>) src(%dma_wait3A_28 : memref<1024x128xf32, #tpu.memory_space<hbm>>) dst(%arg9 : memref<256x128xf32, #tpu.memory_space<vmem>>)
    "tpu.region"() ({
      %run_scoped3A = tpu.sem_alloc : memref<!tpu.dma_semaphore, #tpu.memory_space<semaphore_mem>>
      %dma_start3A_29 = arith.constant 0 : i32
      %dma_start3A_30 = tpu.memref_slice %arg6[%add3A_16, %dma_start3A_29] : memref<16384x128xf32, #tpu.memory_space<hbm>> -> memref<256x128xf32, #tpu.memory_space<hbm>>
      %dma_start3A_31 = arith.constant 0 : i32
      %dma_start3A_32 = tpu.memref_slice %arg6[%add3A_16, %dma_start3A_31] : memref<16384x128xf32, #tpu.memory_space<hbm>> -> memref<256x128xf32, #tpu.memory_space<hbm>>
      tpu.enqueue_dma source(%arg9 : memref<256x128xf32, #tpu.memory_space<vmem>>) target(%dma_start3A_32 : memref<256x128xf32, #tpu.memory_space<hbm>>) target_semaphore(%run_scoped3A : memref<!tpu.dma_semaphore, #tpu.memory_space<semaphore_mem>>)
      %dma_wait3A_33 = arith.constant 0 : i32
      %dma_wait3A_34 = tpu.memref_slice %arg6[%add3A_16, %dma_wait3A_33] : memref<16384x128xf32, #tpu.memory_space<hbm>> -> memref<256x128xf32, #tpu.memory_space<hbm>>
      %dma_wait3A_35 = arith.constant 0 : i32
      %dma_wait3A_36 = tpu.memref_slice %arg6[%add3A_16, %dma_wait3A_35] : memref<16384x128xf32, #tpu.memory_space<hbm>> -> memref<256x128xf32, #tpu.memory_space<hbm>>
      tpu.wait_dma2 semaphore(%run_scoped3A : memref<!tpu.dma_semaphore, #tpu.memory_space<semaphore_mem>>) src(%arg9 : memref<256x128xf32, #tpu.memory_space<vmem>>) dst(%dma_wait3A_36 : memref<256x128xf32, #tpu.memory_space<hbm>>)
      tpu.yield
    }) : () -> ()
    return
  }
}

#map = affine_map<(d0, d1) -> (0, 0)>
#map1 = affine_map<(d0, d1) -> (0)>
module attributes {stable_mosaic.version = 14 : i64} {
  func.func @_sc_gather(%arg0: i32, %arg1: i32, %arg2: memref<512x128xf32, #tpu.memory_space<hbm>>, %arg3: memref<512x128xf32, #tpu.memory_space<hbm>>, %arg4: memref<16384xi32, #tpu.memory_space<hbm>>, %arg5: memref<16384x128xf32, #tpu.memory_space<hbm>>, %arg6: memref<16384x128xf32, #tpu.memory_space<hbm>>, %arg7: memref<256xi32, #tpu.memory_space<vmem>>, %arg8: memref<256x128xf32, #tpu.memory_space<vmem>>, %arg9: memref<256x128xf32, #tpu.memory_space<vmem>>, %arg10: memref<!tpu.dma_semaphore, #tpu.memory_space<semaphore_mem>>, %arg11: memref<!tpu.dma_semaphore, #tpu.memory_space<semaphore_mem>>) attributes {dimension_semantics = [#tpu.dimension_semantics<core_parallel>, #tpu.dimension_semantics<subcore_parallel>], iteration_bounds = array<i64: 2, 16>, scalar_prefetch = 0 : i64, scratch_operands = 5 : i64, tpu.core_type = #tpu.core_type<sc_vector_subcore>, window_params = [{transform_indices = #map}, {transform_indices = #map}, {transform_indices = #map1}, {transform_indices = #map}, {transform_indices = #map}]} {
    %mul3A = arith.constant 2 : i32
    %mul3A_0 = arith.muli %arg1, %mul3A : i32
    %add3A = arith.addi %mul3A_0, %arg0 : i32
    %mul3A_1 = arith.constant 512 : i32
    %mul3A_2 = arith.muli %add3A, %mul3A_1 : i32
    %add3A_3 = arith.constant 0 : i32
    %add3A_4 = arith.addi %mul3A_2, %add3A_3 : i32
    "tpu.region"() ({
      %run_scoped3A = tpu.sem_alloc : memref<!tpu.dma_semaphore, #tpu.memory_space<semaphore_mem>>
      %dma_start3A_29 = tpu.memref_slice %arg4[%add3A_4] : memref<16384xi32, #tpu.memory_space<hbm>> -> memref<256xi32, #tpu.memory_space<hbm>>
      %dma_start3A_30 = tpu.memref_slice %arg4[%add3A_4] : memref<16384xi32, #tpu.memory_space<hbm>> -> memref<256xi32, #tpu.memory_space<hbm>>
      tpu.enqueue_dma source(%dma_start3A_30 : memref<256xi32, #tpu.memory_space<hbm>>) target(%arg7 : memref<256xi32, #tpu.memory_space<vmem>>) target_semaphore(%run_scoped3A : memref<!tpu.dma_semaphore, #tpu.memory_space<semaphore_mem>>)
      %dma_wait3A_31 = tpu.memref_slice %arg4[%add3A_4] : memref<16384xi32, #tpu.memory_space<hbm>> -> memref<256xi32, #tpu.memory_space<hbm>>
      %dma_wait3A_32 = tpu.memref_slice %arg4[%add3A_4] : memref<16384xi32, #tpu.memory_space<hbm>> -> memref<256xi32, #tpu.memory_space<hbm>>
      tpu.wait_dma2 semaphore(%run_scoped3A : memref<!tpu.dma_semaphore, #tpu.memory_space<semaphore_mem>>) src(%dma_wait3A_32 : memref<256xi32, #tpu.memory_space<hbm>>) dst(%arg7 : memref<256xi32, #tpu.memory_space<vmem>>)
      tpu.yield
    }) : () -> ()
    %dma_start3A = arith.constant 0 : i32
    %dma_start3A_5 = arith.constant 0 : i32
    %dma_start3A_6 = tpu.memref_slice %arg2[%dma_start3A, %dma_start3A_5] : memref<512x128xf32, #tpu.memory_space<hbm>> -> memref<512x128xf32, #tpu.memory_space<hbm>>
    tpu.enqueue_indirect_dma source(%dma_start3A_6 : memref<512x128xf32, #tpu.memory_space<hbm>>) target(%arg8 : memref<256x128xf32, #tpu.memory_space<vmem>>) offsets(%arg7 : memref<256xi32, #tpu.memory_space<vmem>>) semaphore(%arg10 : memref<!tpu.dma_semaphore, #tpu.memory_space<semaphore_mem>>)
    %dma_start3A_7 = arith.constant 0 : i32
    %dma_start3A_8 = arith.constant 0 : i32
    %dma_start3A_9 = tpu.memref_slice %arg3[%dma_start3A_7, %dma_start3A_8] : memref<512x128xf32, #tpu.memory_space<hbm>> -> memref<512x128xf32, #tpu.memory_space<hbm>>
    tpu.enqueue_indirect_dma source(%dma_start3A_9 : memref<512x128xf32, #tpu.memory_space<hbm>>) target(%arg9 : memref<256x128xf32, #tpu.memory_space<vmem>>) offsets(%arg7 : memref<256xi32, #tpu.memory_space<vmem>>) semaphore(%arg11 : memref<!tpu.dma_semaphore, #tpu.memory_space<semaphore_mem>>)
    %dma_wait3A = arith.constant 0 : i32
    %dma_wait3A_10 = arith.constant 0 : i32
    %dma_wait3A_11 = tpu.memref_slice %arg2[%dma_wait3A, %dma_wait3A_10] : memref<512x128xf32, #tpu.memory_space<hbm>> -> memref<512x128xf32, #tpu.memory_space<hbm>>
    tpu.wait_indirect_dma semaphore(%arg10 : memref<!tpu.dma_semaphore, #tpu.memory_space<semaphore_mem>>) src(%dma_wait3A_11 : memref<512x128xf32, #tpu.memory_space<hbm>>) dst(%arg8 : memref<256x128xf32, #tpu.memory_space<vmem>>)
    "tpu.region"() ({
      %run_scoped3A = tpu.sem_alloc : memref<!tpu.dma_semaphore, #tpu.memory_space<semaphore_mem>>
      %dma_start3A_29 = arith.constant 0 : i32
      %dma_start3A_30 = tpu.memref_slice %arg5[%add3A_4, %dma_start3A_29] : memref<16384x128xf32, #tpu.memory_space<hbm>> -> memref<256x128xf32, #tpu.memory_space<hbm>>
      %dma_start3A_31 = arith.constant 0 : i32
      %dma_start3A_32 = tpu.memref_slice %arg5[%add3A_4, %dma_start3A_31] : memref<16384x128xf32, #tpu.memory_space<hbm>> -> memref<256x128xf32, #tpu.memory_space<hbm>>
      tpu.enqueue_dma source(%arg8 : memref<256x128xf32, #tpu.memory_space<vmem>>) target(%dma_start3A_32 : memref<256x128xf32, #tpu.memory_space<hbm>>) target_semaphore(%run_scoped3A : memref<!tpu.dma_semaphore, #tpu.memory_space<semaphore_mem>>)
      %dma_wait3A_33 = arith.constant 0 : i32
      %dma_wait3A_34 = tpu.memref_slice %arg5[%add3A_4, %dma_wait3A_33] : memref<16384x128xf32, #tpu.memory_space<hbm>> -> memref<256x128xf32, #tpu.memory_space<hbm>>
      %dma_wait3A_35 = arith.constant 0 : i32
      %dma_wait3A_36 = tpu.memref_slice %arg5[%add3A_4, %dma_wait3A_35] : memref<16384x128xf32, #tpu.memory_space<hbm>> -> memref<256x128xf32, #tpu.memory_space<hbm>>
      tpu.wait_dma2 semaphore(%run_scoped3A : memref<!tpu.dma_semaphore, #tpu.memory_space<semaphore_mem>>) src(%arg8 : memref<256x128xf32, #tpu.memory_space<vmem>>) dst(%dma_wait3A_36 : memref<256x128xf32, #tpu.memory_space<hbm>>)
      tpu.yield
    }) : () -> ()
    %dma_wait3A_12 = arith.constant 0 : i32
    %dma_wait3A_13 = arith.constant 0 : i32
    %dma_wait3A_14 = tpu.memref_slice %arg3[%dma_wait3A_12, %dma_wait3A_13] : memref<512x128xf32, #tpu.memory_space<hbm>> -> memref<512x128xf32, #tpu.memory_space<hbm>>
    tpu.wait_indirect_dma semaphore(%arg11 : memref<!tpu.dma_semaphore, #tpu.memory_space<semaphore_mem>>) src(%dma_wait3A_14 : memref<512x128xf32, #tpu.memory_space<hbm>>) dst(%arg9 : memref<256x128xf32, #tpu.memory_space<vmem>>)
    "tpu.region"() ({
      %run_scoped3A = tpu.sem_alloc : memref<!tpu.dma_semaphore, #tpu.memory_space<semaphore_mem>>
      %dma_start3A_29 = arith.constant 0 : i32
      %dma_start3A_30 = tpu.memref_slice %arg6[%add3A_4, %dma_start3A_29] : memref<16384x128xf32, #tpu.memory_space<hbm>> -> memref<256x128xf32, #tpu.memory_space<hbm>>
      %dma_start3A_31 = arith.constant 0 : i32
      %dma_start3A_32 = tpu.memref_slice %arg6[%add3A_4, %dma_start3A_31] : memref<16384x128xf32, #tpu.memory_space<hbm>> -> memref<256x128xf32, #tpu.memory_space<hbm>>
      tpu.enqueue_dma source(%arg9 : memref<256x128xf32, #tpu.memory_space<vmem>>) target(%dma_start3A_32 : memref<256x128xf32, #tpu.memory_space<hbm>>) target_semaphore(%run_scoped3A : memref<!tpu.dma_semaphore, #tpu.memory_space<semaphore_mem>>)
      %dma_wait3A_33 = arith.constant 0 : i32
      %dma_wait3A_34 = tpu.memref_slice %arg6[%add3A_4, %dma_wait3A_33] : memref<16384x128xf32, #tpu.memory_space<hbm>> -> memref<256x128xf32, #tpu.memory_space<hbm>>
      %dma_wait3A_35 = arith.constant 0 : i32
      %dma_wait3A_36 = tpu.memref_slice %arg6[%add3A_4, %dma_wait3A_35] : memref<16384x128xf32, #tpu.memory_space<hbm>> -> memref<256x128xf32, #tpu.memory_space<hbm>>
      tpu.wait_dma2 semaphore(%run_scoped3A : memref<!tpu.dma_semaphore, #tpu.memory_space<semaphore_mem>>) src(%arg9 : memref<256x128xf32, #tpu.memory_space<vmem>>) dst(%dma_wait3A_36 : memref<256x128xf32, #tpu.memory_space<hbm>>)
      tpu.yield
    }) : () -> ()
    %add3A_15 = arith.constant 256 : i32
    %add3A_16 = arith.addi %mul3A_2, %add3A_15 : i32
    "tpu.region"() ({
      %run_scoped3A = tpu.sem_alloc : memref<!tpu.dma_semaphore, #tpu.memory_space<semaphore_mem>>
      %dma_start3A_29 = tpu.memref_slice %arg4[%add3A_16] : memref<16384xi32, #tpu.memory_space<hbm>> -> memref<256xi32, #tpu.memory_space<hbm>>
      %dma_start3A_30 = tpu.memref_slice %arg4[%add3A_16] : memref<16384xi32, #tpu.memory_space<hbm>> -> memref<256xi32, #tpu.memory_space<hbm>>
      tpu.enqueue_dma source(%dma_start3A_30 : memref<256xi32, #tpu.memory_space<hbm>>) target(%arg7 : memref<256xi32, #tpu.memory_space<vmem>>) target_semaphore(%run_scoped3A : memref<!tpu.dma_semaphore, #tpu.memory_space<semaphore_mem>>)
      %dma_wait3A_31 = tpu.memref_slice %arg4[%add3A_16] : memref<16384xi32, #tpu.memory_space<hbm>> -> memref<256xi32, #tpu.memory_space<hbm>>
      %dma_wait3A_32 = tpu.memref_slice %arg4[%add3A_16] : memref<16384xi32, #tpu.memory_space<hbm>> -> memref<256xi32, #tpu.memory_space<hbm>>
      tpu.wait_dma2 semaphore(%run_scoped3A : memref<!tpu.dma_semaphore, #tpu.memory_space<semaphore_mem>>) src(%dma_wait3A_32 : memref<256xi32, #tpu.memory_space<hbm>>) dst(%arg7 : memref<256xi32, #tpu.memory_space<vmem>>)
      tpu.yield
    }) : () -> ()
    %dma_start3A_17 = arith.constant 0 : i32
    %dma_start3A_18 = arith.constant 0 : i32
    %dma_start3A_19 = tpu.memref_slice %arg2[%dma_start3A_17, %dma_start3A_18] : memref<512x128xf32, #tpu.memory_space<hbm>> -> memref<512x128xf32, #tpu.memory_space<hbm>>
    tpu.enqueue_indirect_dma source(%dma_start3A_19 : memref<512x128xf32, #tpu.memory_space<hbm>>) target(%arg8 : memref<256x128xf32, #tpu.memory_space<vmem>>) offsets(%arg7 : memref<256xi32, #tpu.memory_space<vmem>>) semaphore(%arg10 : memref<!tpu.dma_semaphore, #tpu.memory_space<semaphore_mem>>)
    %dma_start3A_20 = arith.constant 0 : i32
    %dma_start3A_21 = arith.constant 0 : i32
    %dma_start3A_22 = tpu.memref_slice %arg3[%dma_start3A_20, %dma_start3A_21] : memref<512x128xf32, #tpu.memory_space<hbm>> -> memref<512x128xf32, #tpu.memory_space<hbm>>
    tpu.enqueue_indirect_dma source(%dma_start3A_22 : memref<512x128xf32, #tpu.memory_space<hbm>>) target(%arg9 : memref<256x128xf32, #tpu.memory_space<vmem>>) offsets(%arg7 : memref<256xi32, #tpu.memory_space<vmem>>) semaphore(%arg11 : memref<!tpu.dma_semaphore, #tpu.memory_space<semaphore_mem>>)
    %dma_wait3A_23 = arith.constant 0 : i32
    %dma_wait3A_24 = arith.constant 0 : i32
    %dma_wait3A_25 = tpu.memref_slice %arg2[%dma_wait3A_23, %dma_wait3A_24] : memref<512x128xf32, #tpu.memory_space<hbm>> -> memref<512x128xf32, #tpu.memory_space<hbm>>
    tpu.wait_indirect_dma semaphore(%arg10 : memref<!tpu.dma_semaphore, #tpu.memory_space<semaphore_mem>>) src(%dma_wait3A_25 : memref<512x128xf32, #tpu.memory_space<hbm>>) dst(%arg8 : memref<256x128xf32, #tpu.memory_space<vmem>>)
    "tpu.region"() ({
      %run_scoped3A = tpu.sem_alloc : memref<!tpu.dma_semaphore, #tpu.memory_space<semaphore_mem>>
      %dma_start3A_29 = arith.constant 0 : i32
      %dma_start3A_30 = tpu.memref_slice %arg5[%add3A_16, %dma_start3A_29] : memref<16384x128xf32, #tpu.memory_space<hbm>> -> memref<256x128xf32, #tpu.memory_space<hbm>>
      %dma_start3A_31 = arith.constant 0 : i32
      %dma_start3A_32 = tpu.memref_slice %arg5[%add3A_16, %dma_start3A_31] : memref<16384x128xf32, #tpu.memory_space<hbm>> -> memref<256x128xf32, #tpu.memory_space<hbm>>
      tpu.enqueue_dma source(%arg8 : memref<256x128xf32, #tpu.memory_space<vmem>>) target(%dma_start3A_32 : memref<256x128xf32, #tpu.memory_space<hbm>>) target_semaphore(%run_scoped3A : memref<!tpu.dma_semaphore, #tpu.memory_space<semaphore_mem>>)
      %dma_wait3A_33 = arith.constant 0 : i32
      %dma_wait3A_34 = tpu.memref_slice %arg5[%add3A_16, %dma_wait3A_33] : memref<16384x128xf32, #tpu.memory_space<hbm>> -> memref<256x128xf32, #tpu.memory_space<hbm>>
      %dma_wait3A_35 = arith.constant 0 : i32
      %dma_wait3A_36 = tpu.memref_slice %arg5[%add3A_16, %dma_wait3A_35] : memref<16384x128xf32, #tpu.memory_space<hbm>> -> memref<256x128xf32, #tpu.memory_space<hbm>>
      tpu.wait_dma2 semaphore(%run_scoped3A : memref<!tpu.dma_semaphore, #tpu.memory_space<semaphore_mem>>) src(%arg8 : memref<256x128xf32, #tpu.memory_space<vmem>>) dst(%dma_wait3A_36 : memref<256x128xf32, #tpu.memory_space<hbm>>)
      tpu.yield
    }) : () -> ()
    %dma_wait3A_26 = arith.constant 0 : i32
    %dma_wait3A_27 = arith.constant 0 : i32
    %dma_wait3A_28 = tpu.memref_slice %arg3[%dma_wait3A_26, %dma_wait3A_27] : memref<512x128xf32, #tpu.memory_space<hbm>> -> memref<512x128xf32, #tpu.memory_space<hbm>>
    tpu.wait_indirect_dma semaphore(%arg11 : memref<!tpu.dma_semaphore, #tpu.memory_space<semaphore_mem>>) src(%dma_wait3A_28 : memref<512x128xf32, #tpu.memory_space<hbm>>) dst(%arg9 : memref<256x128xf32, #tpu.memory_space<vmem>>)
    "tpu.region"() ({
      %run_scoped3A = tpu.sem_alloc : memref<!tpu.dma_semaphore, #tpu.memory_space<semaphore_mem>>
      %dma_start3A_29 = arith.constant 0 : i32
      %dma_start3A_30 = tpu.memref_slice %arg6[%add3A_16, %dma_start3A_29] : memref<16384x128xf32, #tpu.memory_space<hbm>> -> memref<256x128xf32, #tpu.memory_space<hbm>>
      %dma_start3A_31 = arith.constant 0 : i32
      %dma_start3A_32 = tpu.memref_slice %arg6[%add3A_16, %dma_start3A_31] : memref<16384x128xf32, #tpu.memory_space<hbm>> -> memref<256x128xf32, #tpu.memory_space<hbm>>
      tpu.enqueue_dma source(%arg9 : memref<256x128xf32, #tpu.memory_space<vmem>>) target(%dma_start3A_32 : memref<256x128xf32, #tpu.memory_space<hbm>>) target_semaphore(%run_scoped3A : memref<!tpu.dma_semaphore, #tpu.memory_space<semaphore_mem>>)
      %dma_wait3A_33 = arith.constant 0 : i32
      %dma_wait3A_34 = tpu.memref_slice %arg6[%add3A_16, %dma_wait3A_33] : memref<16384x128xf32, #tpu.memory_space<hbm>> -> memref<256x128xf32, #tpu.memory_space<hbm>>
      %dma_wait3A_35 = arith.constant 0 : i32
      %dma_wait3A_36 = tpu.memref_slice %arg6[%add3A_16, %dma_wait3A_35] : memref<16384x128xf32, #tpu.memory_space<hbm>> -> memref<256x128xf32, #tpu.memory_space<hbm>>
      tpu.wait_dma2 semaphore(%run_scoped3A : memref<!tpu.dma_semaphore, #tpu.memory_space<semaphore_mem>>) src(%arg9 : memref<256x128xf32, #tpu.memory_space<vmem>>) dst(%dma_wait3A_36 : memref<256x128xf32, #tpu.memory_space<hbm>>)
      tpu.yield
    }) : () -> ()
    return
  }
}

module attributes {stable_mosaic.version = 14 : i64} {
  func.func @_tc_kernel(%arg0: i32, %arg1: memref<2048x128xf32, #tpu.memory_space<vmem>>, %arg2: memref<2048x128xf32, #tpu.memory_space<vmem>>, %arg3: memref<2048x128xf32, #tpu.memory_space<vmem>>, %arg4: memref<2048x128xf32, #tpu.memory_space<vmem>>, %arg5: memref<2048x1xf32, #tpu.memory_space<vmem>>, %arg6: memref<2048x1xf32, #tpu.memory_space<vmem>>, %arg7: memref<256x1024xbf16, #tpu.memory_space<vmem>>, %arg8: memref<1x512xf32, #tpu.memory_space<vmem>>, %arg9: memref<1x512xf32, #tpu.memory_space<vmem>>, %arg10: memref<256x2048xbf16, #tpu.memory_space<vmem>>, %arg11: memref<1x1024xf32, #tpu.memory_space<vmem>>, %arg12: memref<1x1024xf32, #tpu.memory_space<vmem>>, %arg13: memref<2048x1xi32, #tpu.memory_space<vmem>>, %arg14: memref<2048x1xi32, #tpu.memory_space<vmem>>, %arg15: memref<1x1xf32, #tpu.memory_space<vmem>>) attributes {dimension_semantics = [#tpu.dimension_semantics<arbitrary>], iteration_bounds = array<i64: 8>, scalar_prefetch = 0 : i64, scratch_operands = 0 : i64, tpu.core_type = #tpu.core_type<tc>, window_params = [{transform_indices = @transform_0, window_bounds = array<i64: 2048, 128>}, {transform_indices = @transform_1, window_bounds = array<i64: 2048, 128>}, {transform_indices = @transform_2, window_bounds = array<i64: 2048, 128>}, {transform_indices = @transform_3, window_bounds = array<i64: 2048, 128>}, {transform_indices = @transform_4, window_bounds = array<i64: 2048, 1>}, {transform_indices = @transform_5, window_bounds = array<i64: 2048, 1>}, {pipeline_mode = #tpu.pipeline_mode<synchronous>, transform_indices = @transform_6, window_bounds = array<i64: 256, 1024>}, {pipeline_mode = #tpu.pipeline_mode<synchronous>, transform_indices = @transform_7, window_bounds = array<i64: 1, 512>}, {pipeline_mode = #tpu.pipeline_mode<synchronous>, transform_indices = @transform_8, window_bounds = array<i64: 1, 512>}, {pipeline_mode = #tpu.pipeline_mode<synchronous>, transform_indices = @transform_9, window_bounds = array<i64: 256, 2048>}, {pipeline_mode = #tpu.pipeline_mode<synchronous>, transform_indices = @transform_10, window_bounds = array<i64: 1, 1024>}, {pipeline_mode = #tpu.pipeline_mode<synchronous>, transform_indices = @transform_11, window_bounds = array<i64: 1, 1024>}, {transform_indices = @transform_12, window_bounds = array<i64: 2048, 1>}, {transform_indices = @transform_13, window_bounds = array<i64: 2048, 1>}, {pipeline_mode = #tpu.pipeline_mode<synchronous>, transform_indices = @transform_14, window_bounds = array<i64: 1, 1>}]} {
    %get3A = arith.constant 0 : index
    %get3A_0 = arith.constant 0 : index
    %get3A_1 = vector.load %arg1[%get3A, %get3A_0] : memref<2048x128xf32, #tpu.memory_space<vmem>>, vector<2048x128xf32>
    %get3A_2 = arith.constant 0 : index
    %get3A_3 = arith.constant 0 : index
    %get3A_4 = vector.load %arg2[%get3A_2, %get3A_3] : memref<2048x128xf32, #tpu.memory_space<vmem>>, vector<2048x128xf32>
    %concatenate3A = tpu.concatenate %get3A_1, %get3A_4 in 1 : vector<2048x128xf32>, vector<2048x128xf32> -> vector<2048x256xf32>
    %get3A_5 = arith.constant 0 : index
    %get3A_6 = arith.constant 0 : index
    %get3A_7 = vector.load %arg3[%get3A_5, %get3A_6] : memref<2048x128xf32, #tpu.memory_space<vmem>>, vector<2048x128xf32>
    %get3A_8 = arith.constant 0 : index
    %get3A_9 = arith.constant 0 : index
    %get3A_10 = vector.load %arg4[%get3A_8, %get3A_9] : memref<2048x128xf32, #tpu.memory_space<vmem>>, vector<2048x128xf32>
    %concatenate3A_11 = tpu.concatenate %get3A_7, %get3A_10 in 1 : vector<2048x128xf32>, vector<2048x128xf32> -> vector<2048x256xf32>
    %convert_element_type3A = arith.truncf %concatenate3A : vector<2048x256xf32> to vector<2048x256xbf16>
    %get3A_12 = arith.constant 0 : index
    %get3A_13 = arith.constant 0 : index
    %get3A_14 = vector.load %arg5[%get3A_12, %get3A_13] : memref<2048x1xf32, #tpu.memory_space<vmem>>, vector<2048x1xf32>
    %get3A_15 = arith.constant 0 : index
    %get3A_16 = arith.constant 0 : index
    %get3A_17 = vector.load %arg7[%get3A_15, %get3A_16] : memref<256x1024xbf16, #tpu.memory_space<vmem>>, vector<256x1024xbf16>
    %get3A_18 = arith.constant 0 : index
    %get3A_19 = arith.constant 0 : index
    %get3A_20 = vector.load %arg8[%get3A_18, %get3A_19] : memref<1x512xf32, #tpu.memory_space<vmem>>, vector<1x512xf32>
    %get3A_21 = arith.constant 0 : index
    %get3A_22 = arith.constant 0 : index
    %get3A_23 = vector.load %arg9[%get3A_21, %get3A_22] : memref<1x512xf32, #tpu.memory_space<vmem>>, vector<1x512xf32>
    %dot_general3A = arith.constant dense<0.000000e+00> : vector<2048x1024xf32>
    %dot_general3A_24 = tpu.matmul %convert_element_type3A, %get3A_17, %dot_general3A {dimension_numbers = #tpu.dot_dimension_numbers<[1], [0], [0], [1], [0, 0, 1, 1], [], []>, transpose_lhs_hint = false} : vector<2048x256xbf16>, vector<256x1024xbf16>, vector<2048x1024xf32> -> vector<2048x1024xf32>
    %slice3A = vector.extract_strided_slice %dot_general3A_24 {offsets = [0, 0], sizes = [2048, 512], strides = [1, 1]} : vector<2048x1024xf32> to vector<2048x512xf32>
    %add3A = vector.broadcast %get3A_14 : vector<2048x1xf32> to vector<2048x512xf32>
    %add3A_25 = vector.broadcast %get3A_23 : vector<1x512xf32> to vector<2048x512xf32>
    %add3A_26 = arith.addf %add3A, %add3A_25 : vector<2048x512xf32>
    %mul3A = arith.constant 2.000000e+00 : f32
    %mul3A_27 = vector.broadcast %mul3A : f32 to vector<2048x512xf32>
    %mul3A_28 = arith.mulf %mul3A_27, %slice3A : vector<2048x512xf32>
    %sub3A = arith.subf %add3A_26, %mul3A_28 : vector<2048x512xf32>
    %slice3A_29 = vector.extract_strided_slice %dot_general3A_24 {offsets = [0, 512], sizes = [2048, 512], strides = [1, 1]} : vector<2048x1024xf32> to vector<2048x512xf32>
    %add3A_30 = vector.broadcast %get3A_20 : vector<1x512xf32> to vector<2048x512xf32>
    %add3A_31 = arith.addf %slice3A_29, %add3A_30 : vector<2048x512xf32>
    %reduce_max3A = arith.constant dense<0xFF800000> : vector<2048xf32>
    %reduce_max3A_32 = vector.multi_reduction <maximumf>, %add3A_31, %reduce_max3A [1] : vector<2048x512xf32> to vector<2048xf32>
    %broadcast_in_dim3A = vector.shape_cast %reduce_max3A_32 : vector<2048xf32> to vector<2048x1xf32>
    %sub3A_33 = vector.broadcast %broadcast_in_dim3A : vector<2048x1xf32> to vector<2048x512xf32>
    %sub3A_34 = arith.subf %add3A_31, %sub3A_33 : vector<2048x512xf32>
    %exp3A = math.exp %sub3A_34 : vector<2048x512xf32>
    %reduce_sum3A = arith.constant dense<0.000000e+00> : vector<2048xf32>
    %reduce_sum3A_35 = vector.multi_reduction <add>, %exp3A, %reduce_sum3A [1] : vector<2048x512xf32> to vector<2048xf32>
    %broadcast_in_dim3A_36 = vector.shape_cast %reduce_sum3A_35 : vector<2048xf32> to vector<2048x1xf32>
    %div3A = vector.broadcast %broadcast_in_dim3A_36 : vector<2048x1xf32> to vector<2048x512xf32>
    %div3A_37 = arith.divf %exp3A, %div3A : vector<2048x512xf32>
    %mul3A_38 = arith.constant 2.000000e+00 : f32
    %mul3A_39 = vector.broadcast %mul3A_38 : f32 to vector<2048x512xf32>
    %mul3A_40 = arith.mulf %mul3A_39, %div3A_37 : vector<2048x512xf32>
    %sub3A_41 = arith.subf %sub3A, %mul3A_40 : vector<2048x512xf32>
    %reduce_min3A = arith.constant dense<0x7F800000> : vector<2048xf32>
    %reduce_min3A_42 = vector.multi_reduction <minimumf>, %sub3A_41, %reduce_min3A [1] : vector<2048x512xf32> to vector<2048xf32>
    %broadcast_in_dim3A_43 = vector.shape_cast %reduce_min3A_42 : vector<2048xf32> to vector<2048x1xf32>
    %iota3A = tpu.iota {dimensions = array<i32: 1>} : vector<2048x512xi32>
    %eq3A = vector.broadcast %broadcast_in_dim3A_43 : vector<2048x1xf32> to vector<2048x512xf32>
    %eq3A_44 = arith.cmpf oeq, %sub3A_41, %eq3A : vector<2048x512xf32>
    %jit3A = arith.constant 512 : i32
    %broadcast_in_dim3A_45 = vector.broadcast %jit3A : i32 to vector<2048x512xi32>
    %select_n3A = arith.select %eq3A_44, %iota3A, %broadcast_in_dim3A_45 : vector<2048x512xi1>, vector<2048x512xi32>
    %reduce_min3A_46 = arith.constant dense<2147483647> : vector<2048xi32>
    %reduce_min3A_47 = vector.multi_reduction <minsi>, %select_n3A, %reduce_min3A_46 [1] : vector<2048x512xi32> to vector<2048xi32>
    %broadcast_in_dim3A_48 = vector.shape_cast %reduce_min3A_47 : vector<2048xi32> to vector<2048x1xi32>
    %eq3A_49 = vector.broadcast %broadcast_in_dim3A_48 : vector<2048x1xi32> to vector<2048x512xi32>
    %eq3A_50 = arith.cmpi eq, %iota3A, %eq3A_49 : vector<2048x512xi32>
    %jit3A_51 = arith.constant 0.000000e+00 : f32
    %broadcast_in_dim3A_52 = vector.broadcast %jit3A_51 : f32 to vector<2048x512xf32>
    %select_n3A_53 = arith.select %eq3A_50, %mul3A_40, %broadcast_in_dim3A_52 : vector<2048x512xi1>, vector<2048x512xf32>
    %reduce_sum3A_54 = arith.constant dense<0.000000e+00> : vector<2048xf32>
    %reduce_sum3A_55 = vector.multi_reduction <add>, %select_n3A_53, %reduce_sum3A_54 [1] : vector<2048x512xf32> to vector<2048xf32>
    %squeeze3A = vector.shape_cast %broadcast_in_dim3A_43 : vector<2048x1xf32> to vector<2048xf32>
    %add3A_56 = arith.addf %squeeze3A, %reduce_sum3A_55 : vector<2048xf32>
    %reduce_sum3A_57 = vector.shape_cast %add3A_56 : vector<2048xf32> to vector<1x2048xf32>
    %reduce_sum3A_58 = arith.constant dense<0.000000e+00> : vector<1xf32>
    %reduce_sum3A_59 = vector.multi_reduction <add>, %reduce_sum3A_57, %reduce_sum3A_58 [1] : vector<1x2048xf32> to vector<1xf32>
    %reduce_sum3A_60 = vector.shape_cast %reduce_sum3A_59 : vector<1xf32> to vector<1x1xf32>
    %reduce_sum3A_61 = vector.extract %reduce_sum3A_60[0, 0] : f32 from vector<1x1xf32>
    %convert_element_type3A_62 = arith.truncf %concatenate3A_11 : vector<2048x256xf32> to vector<2048x256xbf16>
    %get3A_63 = arith.constant 0 : index
    %get3A_64 = arith.constant 0 : index
    %get3A_65 = vector.load %arg6[%get3A_63, %get3A_64] : memref<2048x1xf32, #tpu.memory_space<vmem>>, vector<2048x1xf32>
    %get3A_66 = arith.constant 0 : index
    %get3A_67 = arith.constant 0 : index
    %get3A_68 = vector.load %arg10[%get3A_66, %get3A_67] : memref<256x2048xbf16, #tpu.memory_space<vmem>>, vector<256x2048xbf16>
    %get3A_69 = arith.constant 0 : index
    %get3A_70 = arith.constant 0 : index
    %get3A_71 = vector.load %arg11[%get3A_69, %get3A_70] : memref<1x1024xf32, #tpu.memory_space<vmem>>, vector<1x1024xf32>
    %get3A_72 = arith.constant 0 : index
    %get3A_73 = arith.constant 0 : index
    %get3A_74 = vector.load %arg12[%get3A_72, %get3A_73] : memref<1x1024xf32, #tpu.memory_space<vmem>>, vector<1x1024xf32>
    %dot_general3A_75 = arith.constant dense<0.000000e+00> : vector<2048x2048xf32>
    %dot_general3A_76 = tpu.matmul %convert_element_type3A_62, %get3A_68, %dot_general3A_75 {dimension_numbers = #tpu.dot_dimension_numbers<[1], [0], [0], [1], [0, 0, 1, 1], [], []>, transpose_lhs_hint = false} : vector<2048x256xbf16>, vector<256x2048xbf16>, vector<2048x2048xf32> -> vector<2048x2048xf32>
    %slice3A_77 = vector.extract_strided_slice %dot_general3A_76 {offsets = [0, 0], sizes = [2048, 1024], strides = [1, 1]} : vector<2048x2048xf32> to vector<2048x1024xf32>
    %add3A_78 = vector.broadcast %get3A_65 : vector<2048x1xf32> to vector<2048x1024xf32>
    %add3A_79 = vector.broadcast %get3A_74 : vector<1x1024xf32> to vector<2048x1024xf32>
    %add3A_80 = arith.addf %add3A_78, %add3A_79 : vector<2048x1024xf32>
    %mul3A_81 = arith.constant 2.000000e+00 : f32
    %mul3A_82 = vector.broadcast %mul3A_81 : f32 to vector<2048x1024xf32>
    %mul3A_83 = arith.mulf %mul3A_82, %slice3A_77 : vector<2048x1024xf32>
    %sub3A_84 = arith.subf %add3A_80, %mul3A_83 : vector<2048x1024xf32>
    %slice3A_85 = vector.extract_strided_slice %dot_general3A_76 {offsets = [0, 1024], sizes = [2048, 1024], strides = [1, 1]} : vector<2048x2048xf32> to vector<2048x1024xf32>
    %add3A_86 = vector.broadcast %get3A_71 : vector<1x1024xf32> to vector<2048x1024xf32>
    %add3A_87 = arith.addf %slice3A_85, %add3A_86 : vector<2048x1024xf32>
    %reduce_max3A_88 = arith.constant dense<0xFF800000> : vector<2048xf32>
    %reduce_max3A_89 = vector.multi_reduction <maximumf>, %add3A_87, %reduce_max3A_88 [1] : vector<2048x1024xf32> to vector<2048xf32>
    %broadcast_in_dim3A_90 = vector.shape_cast %reduce_max3A_89 : vector<2048xf32> to vector<2048x1xf32>
    %sub3A_91 = vector.broadcast %broadcast_in_dim3A_90 : vector<2048x1xf32> to vector<2048x1024xf32>
    %sub3A_92 = arith.subf %add3A_87, %sub3A_91 : vector<2048x1024xf32>
    %exp3A_93 = math.exp %sub3A_92 : vector<2048x1024xf32>
    %reduce_sum3A_94 = arith.constant dense<0.000000e+00> : vector<2048xf32>
    %reduce_sum3A_95 = vector.multi_reduction <add>, %exp3A_93, %reduce_sum3A_94 [1] : vector<2048x1024xf32> to vector<2048xf32>
    %broadcast_in_dim3A_96 = vector.shape_cast %reduce_sum3A_95 : vector<2048xf32> to vector<2048x1xf32>
    %div3A_97 = vector.broadcast %broadcast_in_dim3A_96 : vector<2048x1xf32> to vector<2048x1024xf32>
    %div3A_98 = arith.divf %exp3A_93, %div3A_97 : vector<2048x1024xf32>
    %mul3A_99 = arith.constant 2.000000e+00 : f32
    %mul3A_100 = vector.broadcast %mul3A_99 : f32 to vector<2048x1024xf32>
    %mul3A_101 = arith.mulf %mul3A_100, %div3A_98 : vector<2048x1024xf32>
    %sub3A_102 = arith.subf %sub3A_84, %mul3A_101 : vector<2048x1024xf32>
    %reduce_min3A_103 = arith.constant dense<0x7F800000> : vector<2048xf32>
    %reduce_min3A_104 = vector.multi_reduction <minimumf>, %sub3A_102, %reduce_min3A_103 [1] : vector<2048x1024xf32> to vector<2048xf32>
    %broadcast_in_dim3A_105 = vector.shape_cast %reduce_min3A_104 : vector<2048xf32> to vector<2048x1xf32>
    %iota3A_106 = tpu.iota {dimensions = array<i32: 1>} : vector<2048x1024xi32>
    %eq3A_107 = vector.broadcast %broadcast_in_dim3A_105 : vector<2048x1xf32> to vector<2048x1024xf32>
    %eq3A_108 = arith.cmpf oeq, %sub3A_102, %eq3A_107 : vector<2048x1024xf32>
    %jit3A_109 = arith.constant 1024 : i32
    %broadcast_in_dim3A_110 = vector.broadcast %jit3A_109 : i32 to vector<2048x1024xi32>
    %select_n3A_111 = arith.select %eq3A_108, %iota3A_106, %broadcast_in_dim3A_110 : vector<2048x1024xi1>, vector<2048x1024xi32>
    %reduce_min3A_112 = arith.constant dense<2147483647> : vector<2048xi32>
    %reduce_min3A_113 = vector.multi_reduction <minsi>, %select_n3A_111, %reduce_min3A_112 [1] : vector<2048x1024xi32> to vector<2048xi32>
    %broadcast_in_dim3A_114 = vector.shape_cast %reduce_min3A_113 : vector<2048xi32> to vector<2048x1xi32>
    %eq3A_115 = vector.broadcast %broadcast_in_dim3A_114 : vector<2048x1xi32> to vector<2048x1024xi32>
    %eq3A_116 = arith.cmpi eq, %iota3A_106, %eq3A_115 : vector<2048x1024xi32>
    %jit3A_117 = arith.constant 0.000000e+00 : f32
    %broadcast_in_dim3A_118 = vector.broadcast %jit3A_117 : f32 to vector<2048x1024xf32>
    %select_n3A_119 = arith.select %eq3A_116, %mul3A_101, %broadcast_in_dim3A_118 : vector<2048x1024xi1>, vector<2048x1024xf32>
    %reduce_sum3A_120 = arith.constant dense<0.000000e+00> : vector<2048xf32>
    %reduce_sum3A_121 = vector.multi_reduction <add>, %select_n3A_119, %reduce_sum3A_120 [1] : vector<2048x1024xf32> to vector<2048xf32>
    %squeeze3A_122 = vector.shape_cast %broadcast_in_dim3A_105 : vector<2048x1xf32> to vector<2048xf32>
    %add3A_123 = arith.addf %squeeze3A_122, %reduce_sum3A_121 : vector<2048xf32>
    %reduce_sum3A_124 = vector.shape_cast %add3A_123 : vector<2048xf32> to vector<1x2048xf32>
    %reduce_sum3A_125 = arith.constant dense<0.000000e+00> : vector<1xf32>
    %reduce_sum3A_126 = vector.multi_reduction <add>, %reduce_sum3A_124, %reduce_sum3A_125 [1] : vector<1x2048xf32> to vector<1xf32>
    %reduce_sum3A_127 = vector.shape_cast %reduce_sum3A_126 : vector<1xf32> to vector<1x1xf32>
    %reduce_sum3A_128 = vector.extract %reduce_sum3A_127[0, 0] : f32 from vector<1x1xf32>
    %broadcast_in_dim3A_129 = vector.shape_cast %reduce_min3A_47 : vector<2048xi32> to vector<2048x1xi32>
    %swap3A = arith.constant 0 : index
    %swap3A_130 = arith.constant 0 : index
    %swap3A_131 = vector.load %arg13[%swap3A, %swap3A_130] : memref<2048x1xi32, #tpu.memory_space<vmem>>, vector<2048x1xi32>
    tpu.vector_store %arg13[%swap3A, %swap3A_130], %broadcast_in_dim3A_129 {strides = array<i32>} : memref<2048x1xi32, #tpu.memory_space<vmem>>, vector<2048x1xi32>,
    %broadcast_in_dim3A_132 = vector.shape_cast %reduce_min3A_113 : vector<2048xi32> to vector<2048x1xi32>
    %swap3A_133 = arith.constant 0 : index
    %swap3A_134 = arith.constant 0 : index
    %swap3A_135 = vector.load %arg14[%swap3A_133, %swap3A_134] : memref<2048x1xi32, #tpu.memory_space<vmem>>, vector<2048x1xi32>
    tpu.vector_store %arg14[%swap3A_133, %swap3A_134], %broadcast_in_dim3A_132 {strides = array<i32>} : memref<2048x1xi32, #tpu.memory_space<vmem>>, vector<2048x1xi32>,
    %eq3A_136 = arith.constant 0 : i32
    %eq3A_137 = arith.cmpi eq, %arg0, %eq3A_136 : i32
    %convert_element_type3A_138 = arith.extui %eq3A_137 : i1 to i32
    %cond3A = arith.constant 0 : i32
    %cond3A_139 = arith.cmpi ne, %convert_element_type3A_138, %cond3A : i32
    scf.if %cond3A_139 {
      %broadcast_in_dim3A_149 = arith.constant 0.000000e+00 : f32
      %broadcast_in_dim3A_150 = vector.broadcast %broadcast_in_dim3A_149 : f32 to vector<1x1xf32>
      %swap3A_151 = arith.constant 0 : index
      %swap3A_152 = arith.constant 0 : index
      %swap3A_153 = vector.load %arg15[%swap3A_151, %swap3A_152] : memref<1x1xf32, #tpu.memory_space<vmem>>, vector<1x1xf32>
      tpu.vector_store %arg15[%swap3A_151, %swap3A_152], %broadcast_in_dim3A_150 {strides = array<i32>} : memref<1x1xf32, #tpu.memory_space<vmem>>, vector<1x1xf32>,
    } else {
    }
    %get3A_140 = arith.constant 0 : index
    %get3A_141 = arith.constant 0 : index
    %get3A_142 = vector.load %arg15[%get3A_140, %get3A_141] : memref<1x1xf32, #tpu.memory_space<vmem>>, vector<1x1xf32>
    %add3A_143 = arith.addf %reduce_sum3A_61, %reduce_sum3A_128 : f32
    %add3A_144 = vector.broadcast %add3A_143 : f32 to vector<1x1xf32>
    %add3A_145 = arith.addf %get3A_142, %add3A_144 : vector<1x1xf32>
    %swap3A_146 = arith.constant 0 : index
    %swap3A_147 = arith.constant 0 : index
    %swap3A_148 = vector.load %arg15[%swap3A_146, %swap3A_147] : memref<1x1xf32, #tpu.memory_space<vmem>>, vector<1x1xf32>
    tpu.vector_store %arg15[%swap3A_146, %swap3A_147], %add3A_145 {strides = array<i32>} : memref<1x1xf32, #tpu.memory_space<vmem>>, vector<1x1xf32>,
    return
  }
  func.func @transform_0(%arg0: i32) -> (i32, i32) {
    %c0_i32 = arith.constant 0 : i32
    %c0_i32_0 = arith.constant 0 : i32
    return %arg0, %c0_i32 : i32, i32
  }
  func.func @transform_1(%arg0: i32) -> (i32, i32) {
    %c0_i32 = arith.constant 0 : i32
    %c0_i32_0 = arith.constant 0 : i32
    return %arg0, %c0_i32 : i32, i32
  }
  func.func @transform_2(%arg0: i32) -> (i32, i32) {
    %c0_i32 = arith.constant 0 : i32
    %c0_i32_0 = arith.constant 0 : i32
    return %arg0, %c0_i32 : i32, i32
  }
  func.func @transform_3(%arg0: i32) -> (i32, i32) {
    %c0_i32 = arith.constant 0 : i32
    %c0_i32_0 = arith.constant 0 : i32
    return %arg0, %c0_i32 : i32, i32
  }
  func.func @transform_4(%arg0: i32) -> (i32, i32) {
    %c0_i32 = arith.constant 0 : i32
    %c0_i32_0 = arith.constant 0 : i32
    return %arg0, %c0_i32 : i32, i32
  }
  func.func @transform_5(%arg0: i32) -> (i32, i32) {
    %c0_i32 = arith.constant 0 : i32
    %c0_i32_0 = arith.constant 0 : i32
    return %arg0, %c0_i32 : i32, i32
  }
  func.func @transform_6(%arg0: i32) -> (i32, i32) {
    %c0_i32 = arith.constant 0 : i32
    %c0_i32_0 = arith.constant 0 : i32
    %c0_i32_1 = arith.constant 0 : i32
    return %c0_i32, %c0_i32_0 : i32, i32
  }
  func.func @transform_7(%arg0: i32) -> (i32, i32) {
    %c0_i32 = arith.constant 0 : i32
    %c0_i32_0 = arith.constant 0 : i32
    %c0_i32_1 = arith.constant 0 : i32
    return %c0_i32, %c0_i32_0 : i32, i32
  }
  func.func @transform_8(%arg0: i32) -> (i32, i32) {
    %c0_i32 = arith.constant 0 : i32
    %c0_i32_0 = arith.constant 0 : i32
    %c0_i32_1 = arith.constant 0 : i32
    return %c0_i32, %c0_i32_0 : i32, i32
  }
  func.func @transform_9(%arg0: i32) -> (i32, i32) {
    %c0_i32 = arith.constant 0 : i32
    %c0_i32_0 = arith.constant 0 : i32
    %c0_i32_1 = arith.constant 0 : i32
    return %c0_i32, %c0_i32_0 : i32, i32
  }
  func.func @transform_10(%arg0: i32) -> (i32, i32) {
    %c0_i32 = arith.constant 0 : i32
    %c0_i32_0 = arith.constant 0 : i32
    %c0_i32_1 = arith.constant 0 : i32
    return %c0_i32, %c0_i32_0 : i32, i32
  }
  func.func @transform_11(%arg0: i32) -> (i32, i32) {
    %c0_i32 = arith.constant 0 : i32
    %c0_i32_0 = arith.constant 0 : i32
    %c0_i32_1 = arith.constant 0 : i32
    return %c0_i32, %c0_i32_0 : i32, i32
  }
  func.func @transform_12(%arg0: i32) -> (i32, i32) {
    %c0_i32 = arith.constant 0 : i32
    %c0_i32_0 = arith.constant 0 : i32
    return %arg0, %c0_i32 : i32, i32
  }
  func.func @transform_13(%arg0: i32) -> (i32, i32) {
    %c0_i32 = arith.constant 0 : i32
    %c0_i32_0 = arith.constant 0 : i32
    return %arg0, %c0_i32 : i32, i32
  }
  func.func @transform_14(%arg0: i32) -> (i32, i32) {
    %c0_i32 = arith.constant 0 : i32
    %c0_i32_0 = arith.constant 0 : i32
    %c0_i32_1 = arith.constant 0 : i32
    return %c0_i32, %c0_i32_0 : i32, i32
  }
}

</mosaic_0001>

<sc_bundles>
// kernel: kernel.5.cloned.1.call-start
scs
__scs_entry_jumppad:
0x0: {  	(pc) =	sbr.rel $0x88, $3  }
0x1: {  	(tag) =	ssettag $0x0;
	lr =	simm.s32 $0x1  }
0x2: {  	[smem:$0x3F97] =	sst lr;
	_ =	strace $0xD0000000  }
0x3: {  	_ = 	snop  }
0x4: {  	_ = 	snop  }
0x5: {  	_ = 	snop  }
0x6: {  	_ = 	snop  }
0x7: {  	_ = 	snop  }
__scs_overlays_trampoline_lowered:
0x8: {  	[smem:$0x3FA6] =	sst s0  }
0x9: {  	[smem:$0x3FA7] =	sst s1  }
0xa: {  	[smem:$0x3FA8] =	sst s2  }
0xb: {  	[smem:$0x3FA9] =	sst s3  }
0xc: {  	[smem:$0x3FAA] =	sst s4  }
0xd: {  	[smem:$0x3FAB] =	sst s5  }
0xe: {  	[smem:$0x3FAC] =	sst s6  }
0xf: {  	[smem:$0x3FAD] =	sst s7  }
0x10: {  	[smem:$0x3FAE] =	sst s8  }
0x11: {  	[smem:$0x3FAF] =	sst s9;
	s0 =	simm.s32 @!p0 $0x0  }
0x12: {  	s1 =	sld [smem:$0x3F95];
	s0 =	simm.s32 @p0 $0x1  }
0x13: {  	[smem:$0x3FB0] =	sst s0;
	s0 =	simm.s32 @!p1 $0x0  }
0x14: {  	s2 =	sld [smem:$0x3F94];
	s0 =	simm.s32 @p1 $0x1  }
0x15: {  	[smem:$0x3FB1] =	sst s0;
	s0 =	simm.s32 @!p2 $0x0  }
0x16: {  	s3 =	sld [smem:$0x3FDB];
	s0 =	simm.s32 @p2 $0x1  }
0x17: {  	s4 =	simm.s32 $0x1BF5;
	[smem:$0x3FB3] =	sst s0  }
0x18: {  	s0 =	sld [smem:$0x3F96];
	_ =	swait.ge [sflag:s4], $0x0  }
0x19: {  	s7 =	sld [smem:$0x3F97]  }
0x1a: {  	s8 =	sadd.s32 $0xFFFFE003, lr  }
0x1b: {  	s9 =	sadd.s32 $0xFFFFFEF7, lr;
	s5 =	simm.s32 $0xFFFFFFFF;
	p2 =	slt.u32 s8, $0xFFFFF086  }
0x1c: {  	p1 =	slt.u32 s9, $0xF7A;
	s5 =	simm.s32 @!p2 $0x0  }
0x1d: {  	s5 =	simm.s32 @p1 $0x1;
	p0 =	seq.s32 s7, s2  }
0x1e: {  	s7 =	smul.u32 @!p0 $0xF7A, s2;
	p2 =	seq.s32 @!p0 s5, $0x0  }
0x1f: {  	s9 =	smul.u32 $0xF7A, s1;
	s8 =	simm.s32 @!p0 $0x1BF5;
	p2 =	por !p2, p0  }
0x20: {  	[sflag:s8] =	ssyncset.s32 @!p0 $0xFFFFF086;
	s6 =	sadd.s32 @!p0 s3, s7;
	s7 =	simm.s32 @!p0 $0x108  }
0x21: {  	s3 =	sadd.s32 s3, s9;
	s6 =	sadd.s32 @!p0 $0x88, s6;
	s7 =	simm.s32 @p2 $0x1082  }
0x22: {  	[simem:s7], [sflag:s8] =	dma.local @!p0 [hbm:s6], $0xF7A  }
0x23: {  	s9 =	sor.u32 $0xD0000000, s2;
	s6 =	simm.s32 $0x108;
	_ =	swait.ge @!p0 [sflag:s8], $0x0  }
0x24: {  	s3 =	sadd.s32 $0x88, s3;
	s6 =	simm.s32 @!p1 $0x1082;
	[sflag:s4] =	ssyncset.s32 $0xFFFFF086  }
0x25: {  	[simem:s6], [sflag:s4] =	dma.local [hbm:s3], $0xF7A  }
0x26: {  	[smem:$0x3F97] =	sst s1;
	(tag) =	ssettag s2;
	_ =	strace s9  }
0x27: {  	s1 =	sld [smem:$0x3FA7]  }
0x28: {  	s2 =	sld [smem:$0x3FA8]  }
0x29: {  	s4 =	sld [smem:$0x3FAA]  }
0x2a: {  	p0 =	seq.s32 s5, $0x0;
	s5 =	sld [smem:$0x3FAB]  }
0x2b: {  	s6 =	sld [smem:$0x3FAC]  }
0x2c: {  	s7 =	sld [smem:$0x3FAD]  }
0x2d: {  	s3 =	simm.s32 $0x108;
	s8 =	sld [smem:$0x3FAE]  }
0x2e: {  	s3 =	simm.s32 @!p0 $0x1082;
	s9 =	sld [smem:$0x3FAF]  }
0x2f: {  	lr =	sadd.s32 s0, s3;
	s0 =	sld [smem:$0x3FA6]  }
0x30: {  	s3 =	sld [smem:$0x3FA9]  }
0x31: {  	[smem:$0x3FB2] =	sst s10  }
0x32: {  	s10 =	sld [smem:$0x3FB0];
	_ =	sdelay $0x3  }
0x33: {  	p0 =	seq.s32 s10, $0x1;
	s10 =	sld [smem:$0x3FB2];
	_ =	sdelay $0x3  }
0x34: {  	[smem:$0x3FB2] =	sst s10  }
0x35: {  	s10 =	sld [smem:$0x3FB1];
	_ =	sdelay $0x3  }
0x36: {  	p1 =	seq.s32 s10, $0x1;
	s10 =	sld [smem:$0x3FB2];
	_ =	sdelay $0x3  }
0x37: {  	[smem:$0x3FB2] =	sst s10  }
0x38: {  	s10 =	sld [smem:$0x3FB3]  }
0x39: {  	_ = 	snop;
	(pc) =	sbr.ind lr, $3  }
0x3a: {  	_ = 	snop  }
0x3b: {  	_ = 	snop  }
0x3c: {  	p2 =	seq.s32 s10, $0x1;
	s10 =	sld [smem:$0x3FB2]  }
0x3d: {  	_ =	shalt  }
0x3e: {  	_ =	shalt  }
0x3f: {  	_ =	shalt  }
0x40: {  	_ =	shalt  }
0x41: {  	_ =	shalt  }
0x42: {  	_ =	shalt  }
0x43: {  	_ =	shalt  }
0x44: {  	_ =	shalt  }
0x45: {  	_ =	shalt  }
0x46: {  	_ =	shalt  }
0x47: {  	_ =	shalt  }
0x48: {  	_ =	shalt  }
0x49: {  	_ =	shalt  }
0x4a: {  	_ =	shalt  }
0x4b: {  	_ =	shalt  }
0x4c: {  	_ =	shalt  }
0x4d: {  	_ =	shalt  }
0x4e: {  	_ =	shalt  }
0x4f: {  	_ =	shalt  }
0x50: {  	_ =	shalt  }
0x51: {  	_ =	shalt  }
0x52: {  	_ =	shalt  }
0x53: {  	_ =	shalt  }
0x54: {  	_ =	shalt  }
0x55: {  	_ =	shalt  }
0x56: {  	_ =	shalt  }
0x57: {  	_ =	shalt  }
0x58: {  	_ =	shalt  }
0x59: {  	_ =	shalt  }
0x5a: {  	_ =	shalt  }
0x5b: {  	_ =	shalt  }
0x5c: {  	_ =	shalt  }
0x5d: {  	_ =	shalt  }
0x5e: {  	_ =	shalt  }
0x5f: {  	_ =	shalt  }
0x60: {  	_ =	shalt  }
0x61: {  	_ =	shalt  }
0x62: {  	_ =	shalt  }
0x63: {  	_ =	shalt  }
0x64: {  	_ =	shalt  }
0x65: {  	_ =	shalt  }
0x66: {  	_ =	shalt  }
0x67: {  	_ =	shalt  }
0x68: {  	_ =	shalt  }
0x69: {  	_ =	shalt  }
0x6a: {  	_ =	shalt  }
0x6b: {  	_ =	shalt  }
0x6c: {  	_ =	shalt  }
0x6d: {  	_ =	shalt  }
0x6e: {  	_ =	shalt  }
0x6f: {  	_ =	shalt  }
0x70: {  	_ =	shalt  }
0x71: {  	_ =	shalt  }
0x72: {  	_ =	shalt  }
0x73: {  	_ =	shalt  }
0x74: {  	_ =	shalt  }
0x75: {  	_ =	shalt  }
0x76: {  	_ =	shalt  }
0x77: {  	_ =	shalt  }
0x78: {  	_ =	shalt  }
0x79: {  	_ =	shalt  }
0x7a: {  	_ =	shalt  }
0x7b: {  	_ =	shalt  }
0x7c: {  	_ =	shalt  }
0x7d: {  	_ =	shalt  }
0x7e: {  	_ =	shalt  }
0x7f: {  	_ =	shalt  }
0x80: {  	_ =	shalt  }
0x81: {  	_ =	shalt  }
0x82: {  	_ =	shalt  }
0x83: {  	_ =	shalt  }
0x84: {  	_ =	shalt  }
0x85: {  	_ =	shalt  }
0x86: {  	_ =	shalt  }
0x87: {  	_ =	shalt  }
.Lfunc_end0:
.L_simem_size_0:
called_computation_lowered:
.L_overlay_start_0:
0x88: {  	s2 =	sld [smem:$0x3FD9]  }
0x89: {  	s3 =	sld [smem:$0x3FFE];
	_ =	sdelay $0x1  }
0x8a: {  	s1 =	srdreg.scid  }
0x8b: {  	s0 =	sand.u32 $0x1, s1  }
0x8c: {  	s15 =	sshll.u32 s0, $0xA;
	s2 =	sadd.s32 s3, s2  }
0x8d: {  	s2 =	sadd.s32 s2, s15  }
0x8e: {  	[smem:$0x3FBE] =	sst s2  }
0x8f: {  	_ = 	snop  }
0x90: {  	s2 =	sld [smem:$0x3FD0];
	_ =	sdelay $0x2  }
0x91: {  	s16 =	simm.s32 $0xB;
	s4 =	simm.s32 $0x10  }
0x92: {  	[smem:s4], [sflag:s16] =	dma.local [hbm:s2], $0x1  }
0x93: {  	_ =	swait.eq [sflag:s16], $0x1  }
0x94: {  	[sflag:s16] =	ssyncset.done $0x0  }
0x95: {  	[sflag:s16] =	ssyncadd.s32 $0xFFFFFFFF  }
0x96: {  	s17 =	sld [smem:$0x13];
	(tm) =	ssettm $0x1  }
0x97: {  	s18 =	sld [smem:$0x3FFB];
	_ =	sdelay $0x3  }
0x98: {  	_ =	strace s18  }
0x99: {  	s2 =	sld [smem:$0x3FFC];
	_ =	sdelay $0x3  }
0x9a: {  	_ =	strace s2  }
0x9b: {  	s2 =	sld [smem:$0x3FFD];
	_ =	sdelay $0x3  }
0x9c: {  	_ =	strace s2  }
0x9d: {  	_ =	strace $0x8FFFFFFF  }
0x9e: {  	s19 =	sld [smem:$0x3FDB];
	_ =	sdelay $0x1  }
0x9f: {  	s20 =	simm.s32 $_scs_section_size  }
0xa0: {  	s5 =	simm.s32 $_size__tile_overlayer_lowered;
	s6 =	simm.s32 $_tile_overlayer_lowered  }
0xa1: {  	s7 =	simm.s32 $0x1BFF;
	s21 =	sshll.u32 s6, $0x1;
	s4 =	sadd.s32 s20, s19  }
0xa2: {  	s22 =	simm.s32 $0x0;
	s5 =	sshll.u32 s5, $0x1;
	s6 =	sadd.s32 s21, s4  }
0xa3: {  	[timem:s22], [sflag:s7] =	dma.local [hbm:s6], s5  }
0xa4: {  	_ =	swait.ge [sflag:s7], s5  }
0xa5: {  	s5 =	ssub.s32 $0x0, s5;
	[sflag:s7] =	ssyncset.done $0x0  }
0xa6: {  	[sflag:s7] =	ssyncadd.s32 s5;
	_ =	sdelay $0x1  }
0xa7: {  	s23 =	simm.s32 $0x1B8B  }
0xa8: {  	_ =	swait.ge [sflag:s23], $0x1  }
0xa9: {  	[sflag:s23] =	ssyncset.done $0x0  }
0xaa: {  	[sflag:s23] =	ssyncadd.s32 $0xFFFFFFFF  }
0xab: {  	s5 =	sld [smem:$0x0]  }
0xac: {  	s6 =	sand.u32 $0xFFFFFFFE, s1  }
0xad: {  	p0 =	sne.s32 s1, s6  }
0xae: {  	s6 =	sshll.u32 @p0 s6, $0xE  }
0xaf: {  	s6 =	sadd.s32 @p0 $0x11B8D, s6;
	s7 =	sshll.u32 @p0 s5, $0x11  }
0xb0: {  	s6 =	sor.u32 @p0 s7, s6  }
0xb1: {  	[sflag:s6] =	ssyncadd.remote.s32 @p0 $0x1;
	_ =	sdelay $0x1  }
0xb2: {  	s6 =	simm.s32 @p0 $0x1B8D  }
0xb3: {  	_ =	swait.eq @p0 [sflag:s6], $0x1  }
0xb4: {  	[sflag:s6] =	ssyncadd.s32 @p0 $0xFFFFFFFF  }
0xb5: {  	s7 =	sshll.u32 @!p0 s1, $0xE  }
0xb6: {  	s7 =	sor.u32 @!p0 $0x4000, s7;
	s6 =	simm.s32 @!p0 $0x1B8D  }
0xb7: {  	s5 =	sshll.u32 @!p0 s5, $0x11;
	s7 =	sadd.s32 @!p0 $0x11B8D, s7;
	_ =	swait.eq @!p0 [sflag:s6], $0x1  }
0xb8: {  	s5 =	sor.u32 @!p0 s5, s7;
	[sflag:s6] =	ssyncadd.s32 @!p0 $0xFFFFFFFF  }
0xb9: {  	s25 =	simm.s32 $0x1B8E;
	s24 =	sld [smem:$0x3FFE];
	[sflag:s5] =	ssyncadd.remote.s32 @!p0 $0x1  }
0xba: {  	s26 =	simm.s32 $execute0_lowered;
	[smem:$0x3FD2] =	sst s25  }
0xbb: {  	s6 =	sshll.u32 s26, $0x1;
	_ =	strace $0x80000049;
	[dreg:$0x1] =	wrdreg $0xFFFFFFFF  }
0xbc: {  	s28 =	simm.s32 $_size_execute0_lowered;
	s4 =	sadd.s32 s4, s6;
	[dreg:$0x0] =	wrdreg $0x0  }
0xbd: {  	s6 =	sshll.u32 s28, $0x1;
	[dreg:$0x2] =	wrdreg s4  }
0xbe: {  	[dreg:$0x3] =	wrdreg s6  }
0xbf: {  	[dreg:$0x4] =	wrdreg $0xC0  }
0xc0: {  	_ =	task [dreg:s22], $0x5FFFF  }
0xc1: {  	[dreg:$0x1] =	wrdreg $0xFFFFFFFF  }
0xc2: {  	[dreg:$0x0] =	wrdreg $0x60  }
0xc3: {  	[dreg:$0x2] =	wrdreg s24  }
0xc4: {  	[dreg:$0x3] =	wrdreg s17  }
0xc5: {  	[dreg:$0x4] =	wrdreg $0x9  }
0xc6: {  	_ =	task.clear_ibuf [dreg:s22], $0x5FFFF;
	_ =	strace $0x90000049  }
0xc7: {  	s29 =	simm.s32 $0x9;
	_ =	strace $0x8000004B  }
0xc8: {  	_ =	swait.ge [sflag:s29], $0x1  }
0xc9: {  	[sflag:s29] =	ssyncadd.s32 $0xFFFFFFFF  }
0xca: {  	_ =	strace $0x9000004B  }
0xcb: {  	_ =	sfence  }
0xcc: {  	s30 =	sld [smem:$0x0];
	_ =	sdelay $0x2  }
0xcd: {  	s31 =	sshll.u32 s1, $0xD;
	s1 =	sshrl.u32 s1, $0x2  }
0xce: {  	s4 =	sand.u32 $0x4000, s31;
	s1 =	sadd.s32 s1, s30  }
0xcf: {  	s0 =	sor.u32 s4, s0;
	s1 =	sshll.u32 s1, $0x11  }
0xd0: {  	s0 =	sor.u32 s1, s0  }
0xd1: {  	s0 =	sadd.s32 $0x8F2B, s0  }
0xd2: {  	[sflag:s0] =	ssyncadd.remote.s32 $0x1  }
0xd3: {  	_ =	sfence.sel $0xFFFF  }
0xd4: {  	[dreg:$0x0] =	wrdreg $0xFFFFFFFF;
	(pc) =	sbr.abs _section_cstart, $3  }
0xd5: {  	[dreg:$0x1] =	wrdreg $0xFFFFFFFF  }
0xd6: {  	_ =	task.clear_ibuf [dreg:s22], $0x2FFFF;
	_ =	strace $0x9FFFFFFF  }
0xd7: {  	(tm) =	ssettm $0x7FFFFFFF  }
tec
execute0_lowered:
.L_overlay_start_1:
0x0: {  	(tag) =	ssettag $0x1  }
0x1: {  	s1 =	srdreg.scid  }
0x2: {  	s12 =	rddreg [dreg:$0x0];
	s0 =	stileid.u32;
	s15 =	sand.u32 $0x1, s1  }
0x3: {  	s13 =	rddreg [dreg:$0x1];
	s3 =	sshll.u32 s0, $0xA;
	s4 =	sshll.u32 s15, $0x9  }
0x4: {  	s2 =	simm.s32 $0x0;
	s1 =	rddreg [dreg:$0x2];
	s14 =	sor.u32 s4, s3  }
0x5: {  	[smem:$0x7FF] =	sst s2;
	s3 =	sshrl.u32 s14, $0x3  }
0x6: {  	_ =	strace $0x8000004A;
	s4 =	sadd.s32 s13, s3;
	s3 =	simm.s32 $0x3  }
0x7: {  	[tilespmem:s2], [sflag:$0x3] =	stream.linear.gather [hbm4b:s4+s2], $0x100, $0x38;
	[tilespmem:$0x10100] =	vst v63  }
0x8: {  	_ =	swait.ge [sflag:s3], $0x100  }
0x9: {  	[sflag:s3] =	ssyncset.done $0x0  }
0xa: {  	s6 =	simm.s32 $0x100;
	s5 =	sadd.s32 $0x4AC00, s12;
	[sflag:s3] =	ssyncadd.s32 $0xFFFFFF00  }
0xb: {  	[tilespmem:s6], [sflag:$0x1] =	stream.indirect.gather [hbm4b:s5+s6], $0x80, s2, s6, $0xb8;
	[tilespmem:$0x10100] =	vst v63  }
0xc: {  	s8 =	simm.s32 $0x8100;
	s9 =	simm.s32 $0x1;
	s7 =	sadd.s32 $0x48C00, s12  }
0xd: {  	[tilespmem:s8], [sflag:$0x2] =	stream.indirect.gather [hbm4b:s7+s6], $0x80, s2, s6, $0xb8;
	[tilespmem:$0x10100] =	vst v63  }
0xe: {  	_ =	swait.ge [sflag:s9], $0x8000  }
0xf: {  	s16 =	sadd.s32 $0x4CC00, s12;
	s17 =	sshll.u32 s14, $0x4;
	[sflag:s9] =	ssyncset.done $0x0  }
0x10: {  	s10 =	sadd.s32 s16, s17;
	[sflag:s9] =	ssyncadd.s32 $0xFFFF8000  }
0x11: {  	[hbm4b:s10+s2] =	stream.linear.scatter [tilespmem:s6], [sflag:$0x3], $0x8000, $0x38;
	[tilespmem:$0x10100] =	vst v63  }
0x12: {  	_ =	swait.ge [sflag:s3], $0x8000  }
0x13: {  	[sflag:s3] =	ssyncset.done $0x0  }
0x14: {  	s11 =	simm.s32 $0x2;
	[sflag:s3] =	ssyncadd.s32 $0xFFFF8000  }
0x15: {  	_ =	swait.ge [sflag:s11], $0x8000  }
0x16: {  	s18 =	sadd.s32 $0x8CC00, s12;
	[sflag:s11] =	ssyncset.done $0x0  }
0x17: {  	s12 =	sadd.s32 s18, s17;
	[sflag:s11] =	ssyncadd.s32 $0xFFFF8000  }
0x18: {  	[hbm4b:s12+s2] =	stream.linear.scatter [tilespmem:s8], [sflag:$0x3], $0x8000, $0x38;
	[tilespmem:$0x10100] =	vst v63  }
0x19: {  	s14 =	sor.u32 $0x100, s14;
	_ =	swait.ge [sflag:s3], $0x8000  }
0x1a: {  	s29 =	sshrl.u32 s14, $0x3;
	[sflag:s3] =	ssyncset.done $0x0  }
0x1b: {  	s13 =	sadd.s32 s13, s29;
	[sflag:s3] =	ssyncadd.s32 $0xFFFF8000  }
0x1c: {  	[tilespmem:s2], [sflag:$0x3] =	stream.linear.gather [hbm4b:s13+s2], $0x100, $0x38;
	[tilespmem:$0x10100] =	vst v63  }
0x1d: {  	_ =	swait.ge [sflag:s3], $0x100  }
0x1e: {  	[sflag:s3] =	ssyncset.done $0x0  }
0x1f: {  	[sflag:s3] =	ssyncadd.s32 $0xFFFFFF00  }
0x20: {  	[tilespmem:s6], [sflag:$0x1] =	stream.indirect.gather [hbm4b:s5+s6], $0x80, s2, s6, $0xb8;
	[tilespmem:$0x10100] =	vst v63  }
0x21: {  	_ = 	snop  }
0x22: {  	[tilespmem:s8], [sflag:$0x2] =	stream.indirect.gather [hbm4b:s7+s6], $0x80, s2, s6, $0xb8;
	[tilespmem:$0x10100] =	vst v63  }
0x23: {  	_ =	swait.ge [sflag:s9], $0x8000  }
0x24: {  	s30 =	sshll.u32 s14, $0x4;
	[sflag:s9] =	ssyncset.done $0x0  }
0x25: {  	s15 =	ssub.s32 $0x2, s15;
	s14 =	sadd.s32 s16, s30;
	[sflag:s9] =	ssyncadd.s32 $0xFFFF8000  }
0x26: {  	[hbm4b:s14+s2] =	stream.linear.scatter [tilespmem:s6], [sflag:$0x3], $0x8000, $0x38;
	[tilespmem:$0x10100] =	vst v63  }
0x27: {  	s31 =	sshrl.u32 s15, $0x1;
	_ =	swait.ge [sflag:s3], $0x8000  }
0x28: {  	s16 =	ssub.s32 s15, s31;
	[sflag:s3] =	ssyncset.done $0x0  }
0x29: {  	s16 =	smax.u32 s16, $0x1;
	[sflag:s3] =	ssyncadd.s32 $0xFFFF8000  }
0x2a: {  	p0 =	sne.s32 s16, $0x1;
	_ =	swait.ge [sflag:s11], $0x8000  }
.Ltmp0:
0x2b: {  	[sflag:s11] =	ssyncset.done $0x0;
	(pc) =	sbr.rel @!p0 .LBB2_2-.Ltmp0, $4  }
0x2c: {  	s15 =	sadd.s32 s18, s30;
	[sflag:s11] =	ssyncadd.s32 $0xFFFF8000  }
0x2d: {  	[hbm4b:s15+s2] =	stream.linear.scatter [tilespmem:s8], [sflag:$0x3], $0x8000, $0x38;
	[tilespmem:$0x10100] =	vst v63  }
0x2e: {  	_ =	swait.ge [sflag:s3], $0x8000  }
0x2f: {  	s16 =	sadd.s32 $0xFFFFFFFF, s16;
	[sflag:s3] =	ssyncset.done $0x0  }
.LBB2_1:
0x30: {  	p0 =	sne.s32 s16, $0x1;
	s16 =	sadd.s32 $0xFFFFFFFF, s16;
	[sflag:s3] =	ssyncadd.s32 $0xFFFF8000  }
0x31: {  	[tilespmem:s2], [sflag:$0x3] =	stream.linear.gather [hbm4b:s4+s2], $0x100, $0x38;
	[tilespmem:$0x10100] =	vst v63  }
0x32: {  	_ =	swait.ge [sflag:s3], $0x100  }
0x33: {  	[sflag:s3] =	ssyncset.done $0x0  }
0x34: {  	[sflag:s3] =	ssyncadd.s32 $0xFFFFFF00  }
0x35: {  	[tilespmem:s6], [sflag:$0x1] =	stream.indirect.gather [hbm4b:s5+s6], $0x80, s2, s6, $0xb8;
	[tilespmem:$0x10100] =	vst v63  }
0x36: {  	_ = 	snop  }
0x37: {  	[tilespmem:s8], [sflag:$0x2] =	stream.indirect.gather [hbm4b:s7+s6], $0x80, s2, s6, $0xb8;
	[tilespmem:$0x10100] =	vst v63  }
0x38: {  	_ =	swait.ge [sflag:s9], $0x8000  }
0x39: {  	[sflag:s9] =	ssyncset.done $0x0  }
0x3a: {  	[sflag:s9] =	ssyncadd.s32 $0xFFFF8000  }
0x3b: {  	[hbm4b:s10+s2] =	stream.linear.scatter [tilespmem:s6], [sflag:$0x3], $0x8000, $0x38;
	[tilespmem:$0x10100] =	vst v63  }
0x3c: {  	_ =	swait.ge [sflag:s3], $0x8000  }
0x3d: {  	[sflag:s3] =	ssyncset.done $0x0  }
0x3e: {  	[sflag:s3] =	ssyncadd.s32 $0xFFFF8000  }
0x3f: {  	_ =	swait.ge [sflag:s11], $0x8000  }
0x40: {  	[sflag:s11] =	ssyncset.done $0x0  }
0x41: {  	[sflag:s11] =	ssyncadd.s32 $0xFFFF8000  }
0x42: {  	[hbm4b:s12+s2] =	stream.linear.scatter [tilespmem:s8], [sflag:$0x3], $0x8000, $0x38;
	[tilespmem:$0x10100] =	vst v63  }
0x43: {  	_ =	swait.ge [sflag:s3], $0x8000  }
0x44: {  	[sflag:s3] =	ssyncset.done $0x0  }
0x45: {  	[sflag:s3] =	ssyncadd.s32 $0xFFFF8000  }
0x46: {  	[tilespmem:s2], [sflag:$0x3] =	stream.linear.gather [hbm4b:s13+s2], $0x100, $0x38;
	[tilespmem:$0x10100] =	vst v63  }
0x47: {  	_ =	swait.ge [sflag:s3], $0x100  }
0x48: {  	[sflag:s3] =	ssyncset.done $0x0  }
0x49: {  	[sflag:s3] =	ssyncadd.s32 $0xFFFFFF00  }
0x4a: {  	[tilespmem:s6], [sflag:$0x1] =	stream.indirect.gather [hbm4b:s5+s6], $0x80, s2, s6, $0xb8;
	[tilespmem:$0x10100] =	vst v63  }
0x4b: {  	_ = 	snop  }
0x4c: {  	[tilespmem:s8], [sflag:$0x2] =	stream.indirect.gather [hbm4b:s7+s6], $0x80, s2, s6, $0xb8;
	[tilespmem:$0x10100] =	vst v63  }
0x4d: {  	_ =	swait.ge [sflag:s9], $0x8000  }
0x4e: {  	[sflag:s9] =	ssyncset.done $0x0  }
0x4f: {  	[sflag:s9] =	ssyncadd.s32 $0xFFFF8000  }
0x50: {  	[hbm4b:s14+s2] =	stream.linear.scatter [tilespmem:s6], [sflag:$0x3], $0x8000, $0x38;
	[tilespmem:$0x10100] =	vst v63  }
0x51: {  	_ =	swait.ge [sflag:s3], $0x8000  }
0x52: {  	[sflag:s3] =	ssyncset.done $0x0  }
0x53: {  	[sflag:s3] =	ssyncadd.s32 $0xFFFF8000  }
0x54: {  	_ =	swait.ge [sflag:s11], $0x8000  }
.Ltmp1:
0x55: {  	[sflag:s11] =	ssyncset.done $0x0;
	(pc) =	sbr.rel @p0 .LBB2_1-.Ltmp1, $4  }
0x56: {  	[sflag:s11] =	ssyncadd.s32 $0xFFFF8000  }
0x57: {  	[hbm4b:s15+s2] =	stream.linear.scatter [tilespmem:s8], [sflag:$0x3], $0x8000, $0x38;
	[tilespmem:$0x10100] =	vst v63  }
0x58: {  	_ =	swait.ge [sflag:s3], $0x8000  }
0x59: {  	[sflag:s3] =	ssyncset.done $0x0  }
.LBB2_2:
0x5a: {  	[sflag:s3] =	ssyncadd.s32 $0xFFFF8000  }
0x5b: {  	_ =	sfence.sel $0x180000  }
0x5c: {  	[bflag:$0x0] =	sbarrier.arrive $0xFFFF  }
0x5d: {  	p0 =	sne.s32 s0, $0x0;
	_ =	strace $0x9000004A  }
0x5e: {  	s0 =	sadd.s32 @!p0 $0x100000, s1;
	[bflag:$0x2] =	sbarrier.arrive $0xFFFF  }
0x5f: {  	[sflag:s0] =	ssyncadd.tile.s32 @!p0 $0x1;
	_ =	shalt  }
.Lfunc_end2:
_tile_overlayer_lowered:
.L_overlay_start_2:
0x60: {  	(tag) =	ssettag $0x2  }
0x61: {  	s0 =	rddreg [dreg:$0x0];
	s2 =	stileid.u32  }
0x62: {  	s1 =	rddreg [dreg:$0x1];
	p0 =	sne.s32 s2, $0x0  }
0x63: {  	s3 =	rddreg [dreg:$0x2];
	[bflag:$0x3] =	sbarrier.arrive $0xFFFF;
	s2 =	simm.s32 @!p0 $0x1C03  }
0x64: {  	[timem:s3], [sflag:s2] =	dma.local @!p0 [hbm:s0], s1  }
0x65: {  	s0 =	simm.s32 @!p0 $0x3  }
0x66: {  	_ =	swait.ge @!p0 [sflag:s0], s1  }
0x67: {  	s1 =	ssub.s32 @!p0 $0x0, s1;
	[sflag:s0] =	ssyncset.done @!p0 $0x0  }
0x68: {  	[sflag:s0] =	ssyncadd.s32 @!p0 s1  }
0x69: {  	[bflag:$0x3] =	sbarrier.arrive $0xFFFF  }
0x6a: {  	_ =	shalt  }

// kernel: kernel.8.cloned.1.call-start
scs
__scs_entry_jumppad:
0x0: {  	(pc) =	sbr.rel $0x88, $3  }
0x1: {  	(tag) =	ssettag $0x0;
	lr =	simm.s32 $0x1  }
0x2: {  	[smem:$0x3F97] =	sst lr;
	_ =	strace $0xD0000000  }
0x3: {  	_ = 	snop  }
0x4: {  	_ = 	snop  }
0x5: {  	_ = 	snop  }
0x6: {  	_ = 	snop  }
0x7: {  	_ = 	snop  }
__scs_overlays_trampoline_lowered:
0x8: {  	[smem:$0x3FA6] =	sst s0  }
0x9: {  	[smem:$0x3FA7] =	sst s1  }
0xa: {  	[smem:$0x3FA8] =	sst s2  }
0xb: {  	[smem:$0x3FA9] =	sst s3  }
0xc: {  	[smem:$0x3FAA] =	sst s4  }
0xd: {  	[smem:$0x3FAB] =	sst s5  }
0xe: {  	[smem:$0x3FAC] =	sst s6  }
0xf: {  	[smem:$0x3FAD] =	sst s7  }
0x10: {  	[smem:$0x3FAE] =	sst s8  }
0x11: {  	[smem:$0x3FAF] =	sst s9;
	s0 =	simm.s32 @!p0 $0x0  }
0x12: {  	s1 =	sld [smem:$0x3F95];
	s0 =	simm.s32 @p0 $0x1  }
0x13: {  	[smem:$0x3FB0] =	sst s0;
	s0 =	simm.s32 @!p1 $0x0  }
0x14: {  	s2 =	sld [smem:$0x3F94];
	s0 =	simm.s32 @p1 $0x1  }
0x15: {  	[smem:$0x3FB1] =	sst s0;
	s0 =	simm.s32 @!p2 $0x0  }
0x16: {  	s3 =	sld [smem:$0x3FDB];
	s0 =	simm.s32 @p2 $0x1  }
0x17: {  	s4 =	simm.s32 $0x1BF5;
	[smem:$0x3FB3] =	sst s0  }
0x18: {  	s0 =	sld [smem:$0x3F96];
	_ =	swait.ge [sflag:s4], $0x0  }
0x19: {  	s7 =	sld [smem:$0x3F97]  }
0x1a: {  	s8 =	sadd.s32 $0xFFFFE003, lr  }
0x1b: {  	s9 =	sadd.s32 $0xFFFFFEF7, lr;
	s5 =	simm.s32 $0xFFFFFFFF;
	p2 =	slt.u32 s8, $0xFFFFF086  }
0x1c: {  	p1 =	slt.u32 s9, $0xF7A;
	s5 =	simm.s32 @!p2 $0x0  }
0x1d: {  	s5 =	simm.s32 @p1 $0x1;
	p0 =	seq.s32 s7, s2  }
0x1e: {  	s7 =	smul.u32 @!p0 $0xF7A, s2;
	p2 =	seq.s32 @!p0 s5, $0x0  }
0x1f: {  	s9 =	smul.u32 $0xF7A, s1;
	s8 =	simm.s32 @!p0 $0x1BF5;
	p2 =	por !p2, p0  }
0x20: {  	[sflag:s8] =	ssyncset.s32 @!p0 $0xFFFFF086;
	s6 =	sadd.s32 @!p0 s3, s7;
	s7 =	simm.s32 @!p0 $0x108  }
0x21: {  	s3 =	sadd.s32 s3, s9;
	s6 =	sadd.s32 @!p0 $0x88, s6;
	s7 =	simm.s32 @p2 $0x1082  }
0x22: {  	[simem:s7], [sflag:s8] =	dma.local @!p0 [hbm:s6], $0xF7A  }
0x23: {  	s9 =	sor.u32 $0xD0000000, s2;
	s6 =	simm.s32 $0x108;
	_ =	swait.ge @!p0 [sflag:s8], $0x0  }
0x24: {  	s3 =	sadd.s32 $0x88, s3;
	s6 =	simm.s32 @!p1 $0x1082;
	[sflag:s4] =	ssyncset.s32 $0xFFFFF086  }
0x25: {  	[simem:s6], [sflag:s4] =	dma.local [hbm:s3], $0xF7A  }
0x26: {  	[smem:$0x3F97] =	sst s1;
	(tag) =	ssettag s2;
	_ =	strace s9  }
0x27: {  	s1 =	sld [smem:$0x3FA7]  }
0x28: {  	s2 =	sld [smem:$0x3FA8]  }
0x29: {  	s4 =	sld [smem:$0x3FAA]  }
0x2a: {  	p0 =	seq.s32 s5, $0x0;
	s5 =	sld [smem:$0x3FAB]  }
0x2b: {  	s6 =	sld [smem:$0x3FAC]  }
0x2c: {  	s7 =	sld [smem:$0x3FAD]  }
0x2d: {  	s3 =	simm.s32 $0x108;
	s8 =	sld [smem:$0x3FAE]  }
0x2e: {  	s3 =	simm.s32 @!p0 $0x1082;
	s9 =	sld [smem:$0x3FAF]  }
0x2f: {  	lr =	sadd.s32 s0, s3;
	s0 =	sld [smem:$0x3FA6]  }
0x30: {  	s3 =	sld [smem:$0x3FA9]  }
0x31: {  	[smem:$0x3FB2] =	sst s10  }
0x32: {  	s10 =	sld [smem:$0x3FB0];
	_ =	sdelay $0x3  }
0x33: {  	p0 =	seq.s32 s10, $0x1;
	s10 =	sld [smem:$0x3FB2];
	_ =	sdelay $0x3  }
0x34: {  	[smem:$0x3FB2] =	sst s10  }
0x35: {  	s10 =	sld [smem:$0x3FB1];
	_ =	sdelay $0x3  }
0x36: {  	p1 =	seq.s32 s10, $0x1;
	s10 =	sld [smem:$0x3FB2];
	_ =	sdelay $0x3  }
0x37: {  	[smem:$0x3FB2] =	sst s10  }
0x38: {  	s10 =	sld [smem:$0x3FB3]  }
0x39: {  	_ = 	snop;
	(pc) =	sbr.ind lr, $3  }
0x3a: {  	_ = 	snop  }
0x3b: {  	_ = 	snop  }
0x3c: {  	p2 =	seq.s32 s10, $0x1;
	s10 =	sld [smem:$0x3FB2]  }
0x3d: {  	_ =	shalt  }
0x3e: {  	_ =	shalt  }
0x3f: {  	_ =	shalt  }
0x40: {  	_ =	shalt  }
0x41: {  	_ =	shalt  }
0x42: {  	_ =	shalt  }
0x43: {  	_ =	shalt  }
0x44: {  	_ =	shalt  }
0x45: {  	_ =	shalt  }
0x46: {  	_ =	shalt  }
0x47: {  	_ =	shalt  }
0x48: {  	_ =	shalt  }
0x49: {  	_ =	shalt  }
0x4a: {  	_ =	shalt  }
0x4b: {  	_ =	shalt  }
0x4c: {  	_ =	shalt  }
0x4d: {  	_ =	shalt  }
0x4e: {  	_ =	shalt  }
0x4f: {  	_ =	shalt  }
0x50: {  	_ =	shalt  }
0x51: {  	_ =	shalt  }
0x52: {  	_ =	shalt  }
0x53: {  	_ =	shalt  }
0x54: {  	_ =	shalt  }
0x55: {  	_ =	shalt  }
0x56: {  	_ =	shalt  }
0x57: {  	_ =	shalt  }
0x58: {  	_ =	shalt  }
0x59: {  	_ =	shalt  }
0x5a: {  	_ =	shalt  }
0x5b: {  	_ =	shalt  }
0x5c: {  	_ =	shalt  }
0x5d: {  	_ =	shalt  }
0x5e: {  	_ =	shalt  }
0x5f: {  	_ =	shalt  }
0x60: {  	_ =	shalt  }
0x61: {  	_ =	shalt  }
0x62: {  	_ =	shalt  }
0x63: {  	_ =	shalt  }
0x64: {  	_ =	shalt  }
0x65: {  	_ =	shalt  }
0x66: {  	_ =	shalt  }
0x67: {  	_ =	shalt  }
0x68: {  	_ =	shalt  }
0x69: {  	_ =	shalt  }
0x6a: {  	_ =	shalt  }
0x6b: {  	_ =	shalt  }
0x6c: {  	_ =	shalt  }
0x6d: {  	_ =	shalt  }
0x6e: {  	_ =	shalt  }
0x6f: {  	_ =	shalt  }
0x70: {  	_ =	shalt  }
0x71: {  	_ =	shalt  }
0x72: {  	_ =	shalt  }
0x73: {  	_ =	shalt  }
0x74: {  	_ =	shalt  }
0x75: {  	_ =	shalt  }
0x76: {  	_ =	shalt  }
0x77: {  	_ =	shalt  }
0x78: {  	_ =	shalt  }
0x79: {  	_ =	shalt  }
0x7a: {  	_ =	shalt  }
0x7b: {  	_ =	shalt  }
0x7c: {  	_ =	shalt  }
0x7d: {  	_ =	shalt  }
0x7e: {  	_ =	shalt  }
0x7f: {  	_ =	shalt  }
0x80: {  	_ =	shalt  }
0x81: {  	_ =	shalt  }
0x82: {  	_ =	shalt  }
0x83: {  	_ =	shalt  }
0x84: {  	_ =	shalt  }
0x85: {  	_ =	shalt  }
0x86: {  	_ =	shalt  }
0x87: {  	_ =	shalt  }
.Lfunc_end0:
.L_simem_size_0:
called_computation.1_lowered:
.L_overlay_start_0:
0x88: {  	s2 =	sld [smem:$0x3FD9]  }
0x89: {  	s3 =	sld [smem:$0x3FFE];
	_ =	sdelay $0x1  }
0x8a: {  	s1 =	srdreg.scid  }
0x8b: {  	s0 =	sand.u32 $0x1, s1  }
0x8c: {  	s14 =	sshll.u32 s0, $0xA;
	s2 =	sadd.s32 s3, s2  }
0x8d: {  	s2 =	sadd.s32 s2, s14  }
0x8e: {  	[smem:$0x3FBE] =	sst s2  }
0x8f: {  	_ = 	snop  }
0x90: {  	s2 =	sld [smem:$0x3FD0];
	_ =	sdelay $0x2  }
0x91: {  	s15 =	simm.s32 $0xB;
	s4 =	simm.s32 $0x10  }
0x92: {  	[smem:s4], [sflag:s15] =	dma.local [hbm:s2], $0x1  }
0x93: {  	_ =	swait.eq [sflag:s15], $0x1  }
0x94: {  	[sflag:s15] =	ssyncset.done $0x0  }
0x95: {  	s16 =	sld [smem:$0x10];
	[sflag:s15] =	ssyncadd.s32 $0xFFFFFFFF  }
0x96: {  	s17 =	sld [smem:$0x14];
	(tm) =	ssettm $0x1  }
0x97: {  	s18 =	sld [smem:$0x3FFB];
	_ =	sdelay $0x3  }
0x98: {  	_ =	strace s18  }
0x99: {  	s4 =	sld [smem:$0x3FFC];
	_ =	sdelay $0x3  }
0x9a: {  	_ =	strace s4  }
0x9b: {  	s4 =	sld [smem:$0x3FFD];
	_ =	sdelay $0x3  }
0x9c: {  	_ =	strace s4  }
0x9d: {  	_ =	strace $0x8FFFFFFF  }
0x9e: {  	s19 =	sld [smem:$0x3FDB];
	_ =	sdelay $0x1  }
0x9f: {  	s5 =	simm.s32 $_scs_section_size  }
0xa0: {  	s6 =	simm.s32 $_size__tile_overlayer_lowered;
	s7 =	simm.s32 $_tile_overlayer_lowered  }
0xa1: {  	s22 =	simm.s32 $0x1BFF;
	s21 =	sshll.u32 s7, $0x1;
	s4 =	sadd.s32 s5, s19  }
0xa2: {  	s8 =	simm.s32 $0x0;
	s20 =	sshll.u32 s6, $0x1;
	s6 =	sadd.s32 s21, s4  }
0xa3: {  	[timem:s8], [sflag:s22] =	dma.local [hbm:s6], s20  }
0xa4: {  	_ =	swait.ge [sflag:s22], s20  }
0xa5: {  	s5 =	ssub.s32 $0x0, s20;
	[sflag:s22] =	ssyncset.done $0x0  }
0xa6: {  	[sflag:s22] =	ssyncadd.s32 s5;
	_ =	sdelay $0x1  }
0xa7: {  	s23 =	simm.s32 $0x1B8B  }
0xa8: {  	_ =	swait.ge [sflag:s23], $0x1  }
0xa9: {  	[sflag:s23] =	ssyncset.done $0x0  }
0xaa: {  	s25 =	simm.s32 $0x1B8E;
	s24 =	sld [smem:$0x3FFE];
	[sflag:s23] =	ssyncadd.s32 $0xFFFFFFFF  }
0xab: {  	s26 =	simm.s32 $execute0_lowered;
	[smem:$0x3FD2] =	sst s25  }
0xac: {  	s6 =	sshll.u32 s26, $0x1;
	_ =	strace $0x80000046;
	[dreg:$0x1] =	wrdreg $0xFFFFFFFF  }
0xad: {  	s28 =	simm.s32 $_size_execute0_lowered;
	s4 =	sadd.s32 s4, s6;
	[dreg:$0x0] =	wrdreg $0x0  }
0xae: {  	s6 =	sshll.u32 s28, $0x1;
	[dreg:$0x2] =	wrdreg s4  }
0xaf: {  	[dreg:$0x3] =	wrdreg s6  }
0xb0: {  	[dreg:$0x4] =	wrdreg $0xC0  }
0xb1: {  	_ =	task [dreg:s8], $0x5FFFF  }
0xb2: {  	[dreg:$0x1] =	wrdreg $0xFFFFFFFF  }
0xb3: {  	[dreg:$0x0] =	wrdreg $0x60  }
0xb4: {  	[dreg:$0x2] =	wrdreg s24  }
0xb5: {  	[dreg:$0x3] =	wrdreg s17  }
0xb6: {  	[dreg:$0x4] =	wrdreg s16  }
0xb7: {  	[dreg:$0x5] =	wrdreg $0xA  }
0xb8: {  	_ =	task.clear_ibuf [dreg:s8], $0x6FFFF;
	_ =	strace $0x90000046  }
0xb9: {  	s29 =	simm.s32 $0xA;
	_ =	strace $0x80000048  }
0xba: {  	_ =	swait.ge [sflag:s29], $0x1  }
0xbb: {  	[sflag:s29] =	ssyncadd.s32 $0xFFFFFFFF  }
0xbc: {  	_ =	strace $0x90000048  }
0xbd: {  	_ =	sfence  }
0xbe: {  	s30 =	sld [smem:$0x0];
	_ =	sdelay $0x2  }
0xbf: {  	s31 =	sshll.u32 s1, $0xD;
	s1 =	sshrl.u32 s1, $0x2  }
0xc0: {  	s3 =	sand.u32 $0x4000, s31;
	s1 =	sadd.s32 s1, s30  }
0xc1: {  	s0 =	sor.u32 s3, s0;
	s1 =	sshll.u32 s1, $0x11  }
0xc2: {  	s0 =	sor.u32 s1, s0  }
0xc3: {  	s0 =	sadd.s32 $0x8F2B, s0  }
0xc4: {  	[sflag:s0] =	ssyncadd.remote.s32 $0x1  }
0xc5: {  	_ =	sfence.sel $0xFFFF  }
0xc6: {  	[dreg:$0x0] =	wrdreg $0xFFFFFFFF;
	(pc) =	sbr.abs _section_cstart, $3  }
0xc7: {  	[dreg:$0x1] =	wrdreg $0xFFFFFFFF  }
0xc8: {  	_ =	task.clear_ibuf [dreg:s8], $0x2FFFF;
	_ =	strace $0x9FFFFFFF  }
0xc9: {  	(tm) =	ssettm $0x7FFFFFFF  }
tec
execute0_lowered:
.L_overlay_start_1:
0x0: {  	(tag) =	ssettag $0x1  }
0x1: {  	s12 =	rddreg [dreg:$0x0];
	s1 =	srdreg.scid  }
0x2: {  	s13 =	rddreg [dreg:$0x1];
	s0 =	stileid.u32;
	s15 =	sand.u32 $0x1, s1  }
0x3: {  	s14 =	rddreg [dreg:$0x2];
	s3 =	sshll.u32 s0, $0xA;
	s4 =	sshll.u32 s15, $0x9  }
0x4: {  	s2 =	simm.s32 $0x0;
	s1 =	rddreg [dreg:$0x3];
	s16 =	sor.u32 s4, s3  }
0x5: {  	[smem:$0x7FF] =	sst s2;
	s3 =	sshrl.u32 s16, $0x3  }
0x6: {  	_ =	strace $0x80000047;
	s4 =	sadd.s32 s13, s3;
	s3 =	simm.s32 $0x3  }
0x7: {  	[tilespmem:s2], [sflag:$0x3] =	stream.linear.gather [hbm4b:s4+s2], $0x100, $0x38;
	[tilespmem:$0x10100] =	vst v63  }
0x8: {  	_ =	swait.ge [sflag:s3], $0x100  }
0x9: {  	[sflag:s3] =	ssyncset.done $0x0  }
0xa: {  	s6 =	simm.s32 $0x100;
	s5 =	sadd.s32 $0x4C00, s12;
	[sflag:s3] =	ssyncadd.s32 $0xFFFFFF00  }
0xb: {  	[tilespmem:s6], [sflag:$0x1] =	stream.indirect.gather [hbm4b:s5+s6], $0x80, s2, s6, $0xb8;
	[tilespmem:$0x10100] =	vst v63  }
0xc: {  	s8 =	simm.s32 $0x8100;
	s9 =	simm.s32 $0x1;
	s7 =	sadd.s32 $0xC00, s12  }
0xd: {  	[tilespmem:s8], [sflag:$0x2] =	stream.indirect.gather [hbm4b:s7+s6], $0x80, s2, s6, $0xb8;
	[tilespmem:$0x10100] =	vst v63  }
0xe: {  	_ =	swait.ge [sflag:s9], $0x8000  }
0xf: {  	s17 =	sshll.u32 s16, $0x4;
	[sflag:s9] =	ssyncset.done $0x0  }
0x10: {  	s10 =	sadd.s32 s14, s17;
	[sflag:s9] =	ssyncadd.s32 $0xFFFF8000  }
0x11: {  	[hbm4b:s10+s2] =	stream.linear.scatter [tilespmem:s6], [sflag:$0x3], $0x8000, $0x38;
	[tilespmem:$0x10100] =	vst v63  }
0x12: {  	_ =	swait.ge [sflag:s3], $0x8000  }
0x13: {  	[sflag:s3] =	ssyncset.done $0x0  }
0x14: {  	s11 =	simm.s32 $0x2;
	[sflag:s3] =	ssyncadd.s32 $0xFFFF8000  }
0x15: {  	_ =	swait.ge [sflag:s11], $0x8000  }
0x16: {  	s18 =	sadd.s32 $0x8C00, s12;
	[sflag:s11] =	ssyncset.done $0x0  }
0x17: {  	s12 =	sadd.s32 s18, s17;
	[sflag:s11] =	ssyncadd.s32 $0xFFFF8000  }
0x18: {  	[hbm4b:s12+s2] =	stream.linear.scatter [tilespmem:s8], [sflag:$0x3], $0x8000, $0x38;
	[tilespmem:$0x10100] =	vst v63  }
0x19: {  	s16 =	sor.u32 $0x100, s16;
	_ =	swait.ge [sflag:s3], $0x8000  }
0x1a: {  	s29 =	sshrl.u32 s16, $0x3;
	[sflag:s3] =	ssyncset.done $0x0  }
0x1b: {  	s13 =	sadd.s32 s13, s29;
	[sflag:s3] =	ssyncadd.s32 $0xFFFF8000  }
0x1c: {  	[tilespmem:s2], [sflag:$0x3] =	stream.linear.gather [hbm4b:s13+s2], $0x100, $0x38;
	[tilespmem:$0x10100] =	vst v63  }
0x1d: {  	_ =	swait.ge [sflag:s3], $0x100  }
0x1e: {  	[sflag:s3] =	ssyncset.done $0x0  }
0x1f: {  	[sflag:s3] =	ssyncadd.s32 $0xFFFFFF00  }
0x20: {  	[tilespmem:s6], [sflag:$0x1] =	stream.indirect.gather [hbm4b:s5+s6], $0x80, s2, s6, $0xb8;
	[tilespmem:$0x10100] =	vst v63  }
0x21: {  	_ = 	snop  }
0x22: {  	[tilespmem:s8], [sflag:$0x2] =	stream.indirect.gather [hbm4b:s7+s6], $0x80, s2, s6, $0xb8;
	[tilespmem:$0x10100] =	vst v63  }
0x23: {  	_ =	swait.ge [sflag:s9], $0x8000  }
0x24: {  	s16 =	sshll.u32 s16, $0x4;
	[sflag:s9] =	ssyncset.done $0x0  }
0x25: {  	s15 =	ssub.s32 $0x2, s15;
	s14 =	sadd.s32 s14, s16;
	[sflag:s9] =	ssyncadd.s32 $0xFFFF8000  }
0x26: {  	[hbm4b:s14+s2] =	stream.linear.scatter [tilespmem:s6], [sflag:$0x3], $0x8000, $0x38;
	[tilespmem:$0x10100] =	vst v63  }
0x27: {  	s30 =	sshrl.u32 s15, $0x1;
	_ =	swait.ge [sflag:s3], $0x8000  }
0x28: {  	s17 =	ssub.s32 s15, s30;
	[sflag:s3] =	ssyncset.done $0x0  }
0x29: {  	s31 =	smax.u32 s17, $0x1;
	[sflag:s3] =	ssyncadd.s32 $0xFFFF8000  }
0x2a: {  	p0 =	sne.s32 s31, $0x1;
	_ =	swait.ge [sflag:s11], $0x8000  }
.Ltmp0:
0x2b: {  	[sflag:s11] =	ssyncset.done $0x0;
	(pc) =	sbr.rel @!p0 .LBB2_2-.Ltmp0, $4  }
0x2c: {  	s15 =	sadd.s32 s18, s16;
	[sflag:s11] =	ssyncadd.s32 $0xFFFF8000  }
0x2d: {  	[hbm4b:s15+s2] =	stream.linear.scatter [tilespmem:s8], [sflag:$0x3], $0x8000, $0x38;
	[tilespmem:$0x10100] =	vst v63  }
0x2e: {  	_ =	swait.ge [sflag:s3], $0x8000  }
0x2f: {  	s16 =	sadd.s32 $0xFFFFFFFF, s31;
	[sflag:s3] =	ssyncset.done $0x0  }
.LBB2_1:
0x30: {  	p0 =	sne.s32 s16, $0x1;
	s16 =	sadd.s32 $0xFFFFFFFF, s16;
	[sflag:s3] =	ssyncadd.s32 $0xFFFF8000  }
0x31: {  	[tilespmem:s2], [sflag:$0x3] =	stream.linear.gather [hbm4b:s4+s2], $0x100, $0x38;
	[tilespmem:$0x10100] =	vst v63  }
0x32: {  	_ =	swait.ge [sflag:s3], $0x100  }
0x33: {  	[sflag:s3] =	ssyncset.done $0x0  }
0x34: {  	[sflag:s3] =	ssyncadd.s32 $0xFFFFFF00  }
0x35: {  	[tilespmem:s6], [sflag:$0x1] =	stream.indirect.gather [hbm4b:s5+s6], $0x80, s2, s6, $0xb8;
	[tilespmem:$0x10100] =	vst v63  }
0x36: {  	_ = 	snop  }
0x37: {  	[tilespmem:s8], [sflag:$0x2] =	stream.indirect.gather [hbm4b:s7+s6], $0x80, s2, s6, $0xb8;
	[tilespmem:$0x10100] =	vst v63  }
0x38: {  	_ =	swait.ge [sflag:s9], $0x8000  }
0x39: {  	[sflag:s9] =	ssyncset.done $0x0  }
0x3a: {  	[sflag:s9] =	ssyncadd.s32 $0xFFFF8000  }
0x3b: {  	[hbm4b:s10+s2] =	stream.linear.scatter [tilespmem:s6], [sflag:$0x3], $0x8000, $0x38;
	[tilespmem:$0x10100] =	vst v63  }
0x3c: {  	_ =	swait.ge [sflag:s3], $0x8000  }
0x3d: {  	[sflag:s3] =	ssyncset.done $0x0  }
0x3e: {  	[sflag:s3] =	ssyncadd.s32 $0xFFFF8000  }
0x3f: {  	_ =	swait.ge [sflag:s11], $0x8000  }
0x40: {  	[sflag:s11] =	ssyncset.done $0x0  }
0x41: {  	[sflag:s11] =	ssyncadd.s32 $0xFFFF8000  }
0x42: {  	[hbm4b:s12+s2] =	stream.linear.scatter [tilespmem:s8], [sflag:$0x3], $0x8000, $0x38;
	[tilespmem:$0x10100] =	vst v63  }
0x43: {  	_ =	swait.ge [sflag:s3], $0x8000  }
0x44: {  	[sflag:s3] =	ssyncset.done $0x0  }
0x45: {  	[sflag:s3] =	ssyncadd.s32 $0xFFFF8000  }
0x46: {  	[tilespmem:s2], [sflag:$0x3] =	stream.linear.gather [hbm4b:s13+s2], $0x100, $0x38;
	[tilespmem:$0x10100] =	vst v63  }
0x47: {  	_ =	swait.ge [sflag:s3], $0x100  }
0x48: {  	[sflag:s3] =	ssyncset.done $0x0  }
0x49: {  	[sflag:s3] =	ssyncadd.s32 $0xFFFFFF00  }
0x4a: {  	[tilespmem:s6], [sflag:$0x1] =	stream.indirect.gather [hbm4b:s5+s6], $0x80, s2, s6, $0xb8;
	[tilespmem:$0x10100] =	vst v63  }
0x4b: {  	_ = 	snop  }
0x4c: {  	[tilespmem:s8], [sflag:$0x2] =	stream.indirect.gather [hbm4b:s7+s6], $0x80, s2, s6, $0xb8;
	[tilespmem:$0x10100] =	vst v63  }
0x4d: {  	_ =	swait.ge [sflag:s9], $0x8000  }
0x4e: {  	[sflag:s9] =	ssyncset.done $0x0  }
0x4f: {  	[sflag:s9] =	ssyncadd.s32 $0xFFFF8000  }
0x50: {  	[hbm4b:s14+s2] =	stream.linear.scatter [tilespmem:s6], [sflag:$0x3], $0x8000, $0x38;
	[tilespmem:$0x10100] =	vst v63  }
0x51: {  	_ =	swait.ge [sflag:s3], $0x8000  }
0x52: {  	[sflag:s3] =	ssyncset.done $0x0  }
0x53: {  	[sflag:s3] =	ssyncadd.s32 $0xFFFF8000  }
0x54: {  	_ =	swait.ge [sflag:s11], $0x8000  }
.Ltmp1:
0x55: {  	[sflag:s11] =	ssyncset.done $0x0;
	(pc) =	sbr.rel @p0 .LBB2_1-.Ltmp1, $4  }
0x56: {  	[sflag:s11] =	ssyncadd.s32 $0xFFFF8000  }
0x57: {  	[hbm4b:s15+s2] =	stream.linear.scatter [tilespmem:s8], [sflag:$0x3], $0x8000, $0x38;
	[tilespmem:$0x10100] =	vst v63  }
0x58: {  	_ =	swait.ge [sflag:s3], $0x8000  }
0x59: {  	[sflag:s3] =	ssyncset.done $0x0  }
.LBB2_2:
0x5a: {  	[sflag:s3] =	ssyncadd.s32 $0xFFFF8000  }
0x5b: {  	_ =	sfence.sel $0x180000  }
0x5c: {  	[bflag:$0x0] =	sbarrier.arrive $0xFFFF  }
0x5d: {  	p0 =	sne.s32 s0, $0x0;
	_ =	strace $0x90000047  }
0x5e: {  	s0 =	sadd.s32 @!p0 $0x100000, s1;
	[bflag:$0x2] =	sbarrier.arrive $0xFFFF  }
0x5f: {  	[sflag:s0] =	ssyncadd.tile.s32 @!p0 $0x1;
	_ =	shalt  }
.Lfunc_end2:
_tile_overlayer_lowered:
.L_overlay_start_2:
0x60: {  	(tag) =	ssettag $0x2  }
0x61: {  	s0 =	rddreg [dreg:$0x0];
	s2 =	stileid.u32  }
0x62: {  	s1 =	rddreg [dreg:$0x1];
	p0 =	sne.s32 s2, $0x0  }
0x63: {  	s3 =	rddreg [dreg:$0x2];
	[bflag:$0x3] =	sbarrier.arrive $0xFFFF;
	s2 =	simm.s32 @!p0 $0x1C03  }
0x64: {  	[timem:s3], [sflag:s2] =	dma.local @!p0 [hbm:s0], s1  }
0x65: {  	s0 =	simm.s32 @!p0 $0x3  }
0x66: {  	_ =	swait.ge @!p0 [sflag:s0], s1  }
0x67: {  	s1 =	ssub.s32 @!p0 $0x0, s1;
	[sflag:s0] =	ssyncset.done @!p0 $0x0  }
0x68: {  	[sflag:s0] =	ssyncadd.s32 @!p0 s1  }
0x69: {  	[bflag:$0x3] =	sbarrier.arrive $0xFFFF  }
0x6a: {  	_ =	shalt  }

</sc_bundles>
